<compile_context>
chip_gen: v7x
topology: tpu7x:2x2x1
jax: 0.10.2.dev20260603
libtpu: 0.0.44.dev20260713+nightly
codegen_flags: <defaults>
</compile_context>

<pallas_src>
import functools

import jax
import jax.numpy as jnp
from jax import lax
from jax.experimental import pallas as pl
from jax.experimental.pallas import tpu as pltpu
from jax.experimental.pallas import tpu_sc as plsc

_F = 26
_V1 = 100001
_D = 16
_B = 16384
_NC, _NS, _L = 2, 16, 16
_NW = _NC * _NS
_U = _F * _D
_UPW = _U // _NW


def _body(tab_hbm, x_hbm, out_hbm, xbuf, gbuf0, gbuf1, sem0, sem1):
  wid = lax.axis_index("s") * _NC + lax.axis_index("c")
  u0 = wid * _UPW
  bufs = (gbuf0, gbuf1)
  sems = (sem0, sem1)

  f_start = jnp.minimum(u0 // _D, _F - 2)
  pltpu.sync_copy(x_hbm.at[pl.ds(f_start, 2)], xbuf)

  def start(u, buf, sem):
    f = u // _D
    d = u - f * _D
    pltpu.async_copy(tab_hbm.at[f, d].at[xbuf.at[f - f_start]], buf, sem)

  start(u0, bufs[0], sems[0])
  for i in range(_UPW):
    u = u0 + i
    if i + 1 < _UPW:
      start(u + 1, bufs[(i + 1) % 2], sems[(i + 1) % 2])
    f = u // _D
    d = u - f * _D
    cur = i % 2
    pltpu.make_async_copy(
        tab_hbm.at[f, d].at[xbuf.at[f - f_start]], bufs[cur], sems[cur]
    ).wait()
    pltpu.sync_copy(bufs[cur], out_hbm.at[f, d])


def kernel(X, tables):
  tt = jnp.transpose(tables, (0, 2, 1))
  xt = jnp.transpose(X, (1, 0))
  mesh = plsc.VectorSubcoreMesh(core_axis_name="c", subcore_axis_name="s")
  run = functools.partial(
      pl.kernel,
      out_type=jax.ShapeDtypeStruct((_F, _D, _B), jnp.float32),
      mesh=mesh,
      compiler_params=pltpu.CompilerParams(use_tc_tiling_on_sc=False),
      scratch_types=[
          pltpu.VMEM((2, _B), jnp.int32),
          pltpu.VMEM((_B,), jnp.float32),
          pltpu.VMEM((_B,), jnp.float32),
          pltpu.SemaphoreType.DMA,
          pltpu.SemaphoreType.DMA,
      ],
  )(_body)
  out_t = run(tt, xt)
  return jnp.transpose(out_t, (2, 0, 1))

# --- scband reference (transcript-rebuilt; emitter-appended) ---
"""Pipeline reference for scband-base-model-5669356835967 (READ-ONLY COPY).

The authoritative reference and input builder live on the scoring server;
editing this copy changes nothing except your own understanding.
"""

import jax, jax.numpy as jnp
import numpy as np

NUM_FIELDS = 26
VOCAB = 100000
EMBED_DIM = 16
BATCH = 16384


def setup_inputs(seed: int = 0) -> dict:
    key = jax.random.key(seed)
    k_idx, k_tab = jax.random.split(key)
    # X: one int column per sparse field, packed as [B, n_fields]
    X = jax.random.randint(k_idx, (BATCH, NUM_FIELDS), 0, VOCAB, dtype=jnp.int64 if jax.config.read('jax_enable_x64') else jnp.int32).astype(jnp.int32)
    # one embedding table per field; nn.Embedding(vocab_size + 1, embedding_dim)
    tables = jax.random.normal(k_tab, (NUM_FIELDS, VOCAB + 1, EMBED_DIM), dtype=jnp.float32)
    return {"X": X, "tables": tables}


def reference(X, tables):
    # Faithful to EmbeddingLayer.forward(X, name=None):
    # for each field col: emb = table_col[X[col].view(-1,1)]  -> [B,1,D]
    # then torch.stack(list, dim=1).squeeze(2)               -> [B, n_fields, D]
    # Per-field gather from each field's own table (SparseCore-style gather):
    def lookup(table, idx_col):
        return jnp.take(table, idx_col, axis=0)  # [B, D]
    feature_emb = jax.vmap(lookup, in_axes=(0, 1), out_axes=1)(tables, X)  # [B, n_fields, D]
    return feature_emb

if __name__ == "__main__":
    import jax
    _d = setup_inputs()
    print(jax.jit(kernel)(*tuple(_d.values())))

</pallas_src>

<mosaic_0001>
#map = affine_map<(d0, d1) -> (0, 0, 0)>
#map1 = affine_map<(d0, d1) -> (0, 0)>
module attributes {stable_mosaic.version = 14 : i64} {
  func.func @_body(%arg0: i32, %arg1: i32, %arg2: memref<26x16x100001xf32, #tpu.memory_space<hbm>>, %arg3: memref<26x16384xi32, #tpu.memory_space<hbm>>, %arg4: memref<26x16x16384xf32, #tpu.memory_space<hbm>>, %arg5: memref<2x16384xi32, #tpu.memory_space<vmem>>, %arg6: memref<16384xf32, #tpu.memory_space<vmem>>, %arg7: memref<16384xf32, #tpu.memory_space<vmem>>, %arg8: memref<!tpu.dma_semaphore, #tpu.memory_space<semaphore_mem>>, %arg9: memref<!tpu.dma_semaphore, #tpu.memory_space<semaphore_mem>>) attributes {dimension_semantics = [#tpu.dimension_semantics<core_parallel>, #tpu.dimension_semantics<subcore_parallel>], iteration_bounds = array<i64: 2, 16>, scalar_prefetch = 0 : i64, scratch_operands = 5 : i64, tpu.core_type = #tpu.core_type<sc_vector_subcore>, window_params = [{transform_indices = #map}, {transform_indices = #map1}, {transform_indices = #map}]} {
    %mul3A = arith.constant 2 : i32
    %mul3A_0 = arith.muli %arg1, %mul3A : i32
    %add3A = arith.addi %mul3A_0, %arg0 : i32
    %mul3A_1 = arith.constant 13 : i32
    %mul3A_2 = arith.muli %add3A, %mul3A_1 : i32
    %jit3A = arith.constant 16 : i32
    %div3A = arith.divsi %mul3A_2, %jit3A : i32
    %sign3A = arith.constant 0 : i32
    %sign3A_3 = arith.cmpi sgt, %mul3A_2, %sign3A : i32
    %sign3A_4 = arith.extui %sign3A_3 : i1 to i32
    %sign3A_5 = arith.constant 0 : i32
    %sign3A_6 = arith.cmpi slt, %mul3A_2, %sign3A_5 : i32
    %sign3A_7 = arith.extui %sign3A_6 : i1 to i32
    %sign3A_8 = arith.subi %sign3A_4, %sign3A_7 : i32
    %sign3A_9 = arith.constant 0 : i32
    %sign3A_10 = arith.cmpi sgt, %jit3A, %sign3A_9 : i32
    %sign3A_11 = arith.extui %sign3A_10 : i1 to i32
    %sign3A_12 = arith.constant 0 : i32
    %sign3A_13 = arith.cmpi slt, %jit3A, %sign3A_12 : i32
    %sign3A_14 = arith.extui %sign3A_13 : i1 to i32
    %sign3A_15 = arith.subi %sign3A_11, %sign3A_14 : i32
    %ne3A = arith.cmpi ne, %sign3A_8, %sign3A_15 : i32
    %rem3A = arith.remsi %mul3A_2, %jit3A : i32
    %ne3A_16 = arith.constant 0 : i32
    %ne3A_17 = arith.cmpi ne, %rem3A, %ne3A_16 : i32
    %and3A = arith.andi %ne3A, %ne3A_17 : i1
    %sub3A = arith.constant 1 : i32
    %sub3A_18 = arith.subi %div3A, %sub3A : i32
    %select_n3A = arith.select %and3A, %sub3A_18, %div3A : i32
    %min3A = arith.constant 24 : i32
    %min3A_19 = arith.minsi %select_n3A, %min3A : i32
    "tpu.region"() ({
      %run_scoped3A = tpu.sem_alloc : memref<!tpu.dma_semaphore, #tpu.memory_space<semaphore_mem>>
      %dma_start3A_1004 = arith.constant 0 : i32
      %dma_start3A_1005 = tpu.memref_slice %arg3[%min3A_19, %dma_start3A_1004] : memref<26x16384xi32, #tpu.memory_space<hbm>> -> memref<2x16384xi32, #tpu.memory_space<hbm>>
      %dma_start3A_1006 = arith.constant 0 : i32
      %dma_start3A_1007 = tpu.memref_slice %arg3[%min3A_19, %dma_start3A_1006] : memref<26x16384xi32, #tpu.memory_space<hbm>> -> memref<2x16384xi32, #tpu.memory_space<hbm>>
      tpu.enqueue_dma source(%dma_start3A_1007 : memref<2x16384xi32, #tpu.memory_space<hbm>>) target(%arg5 : memref<2x16384xi32, #tpu.memory_space<vmem>>) target_semaphore(%run_scoped3A : memref<!tpu.dma_semaphore, #tpu.memory_space<semaphore_mem>>)
      %dma_wait3A_1008 = arith.constant 0 : i32
      %dma_wait3A_1009 = tpu.memref_slice %arg3[%min3A_19, %dma_wait3A_1008] : memref<26x16384xi32, #tpu.memory_space<hbm>> -> memref<2x16384xi32, #tpu.memory_space<hbm>>
      %dma_wait3A_1010 = arith.constant 0 : i32
      %dma_wait3A_1011 = tpu.memref_slice %arg3[%min3A_19, %dma_wait3A_1010] : memref<26x16384xi32, #tpu.memory_space<hbm>> -> memref<2x16384xi32, #tpu.memory_space<hbm>>
      tpu.wait_dma2 semaphore(%run_scoped3A : memref<!tpu.dma_semaphore, #tpu.memory_space<semaphore_mem>>) src(%dma_wait3A_1011 : memref<2x16384xi32, #tpu.memory_space<hbm>>) dst(%arg5 : memref<2x16384xi32, #tpu.memory_space<vmem>>)
      tpu.yield
    }) : () -> ()
    %jit3A_20 = arith.constant 16 : i32
    %div3A_21 = arith.divsi %mul3A_2, %jit3A_20 : i32
    %sign3A_22 = arith.constant 0 : i32
    %sign3A_23 = arith.cmpi sgt, %mul3A_2, %sign3A_22 : i32
    %sign3A_24 = arith.extui %sign3A_23 : i1 to i32
    %sign3A_25 = arith.constant 0 : i32
    %sign3A_26 = arith.cmpi slt, %mul3A_2, %sign3A_25 : i32
    %sign3A_27 = arith.extui %sign3A_26 : i1 to i32
    %sign3A_28 = arith.subi %sign3A_24, %sign3A_27 : i32
    %sign3A_29 = arith.constant 0 : i32
    %sign3A_30 = arith.cmpi sgt, %jit3A_20, %sign3A_29 : i32
    %sign3A_31 = arith.extui %sign3A_30 : i1 to i32
    %sign3A_32 = arith.constant 0 : i32
    %sign3A_33 = arith.cmpi slt, %jit3A_20, %sign3A_32 : i32
    %sign3A_34 = arith.extui %sign3A_33 : i1 to i32
    %sign3A_35 = arith.subi %sign3A_31, %sign3A_34 : i32
    %ne3A_36 = arith.cmpi ne, %sign3A_28, %sign3A_35 : i32
    %rem3A_37 = arith.remsi %mul3A_2, %jit3A_20 : i32
    %ne3A_38 = arith.constant 0 : i32
    %ne3A_39 = arith.cmpi ne, %rem3A_37, %ne3A_38 : i32
    %and3A_40 = arith.andi %ne3A_36, %ne3A_39 : i1
    %sub3A_41 = arith.constant 1 : i32
    %sub3A_42 = arith.subi %div3A_21, %sub3A_41 : i32
    %select_n3A_43 = arith.select %and3A_40, %sub3A_42, %div3A_21 : i32
    %mul3A_44 = arith.constant 16 : i32
    %mul3A_45 = arith.muli %select_n3A_43, %mul3A_44 : i32
    %sub3A_46 = arith.subi %mul3A_2, %mul3A_45 : i32
    %sub3A_47 = arith.subi %select_n3A_43, %min3A_19 : i32
    %dma_start3A = arith.constant 0 : i32
    %dma_start3A_48 = tpu.memref_slice %arg5[%sub3A_47, %dma_start3A] : memref<2x16384xi32, #tpu.memory_space<vmem>> -> memref<1x16384xi32, #tpu.memory_space<vmem>>
    %dma_start3A_49 = tpu.memref_squeeze %dma_start3A_48 : memref<1x16384xi32, #tpu.memory_space<vmem>> -> memref<16384xi32, #tpu.memory_space<vmem>>
    %dma_start3A_50 = arith.constant 0 : i32
    %dma_start3A_51 = tpu.memref_slice %arg2[%select_n3A_43, %sub3A_46, %dma_start3A_50] : memref<26x16x100001xf32, #tpu.memory_space<hbm>> -> memref<1x1x100001xf32, #tpu.memory_space<hbm>>
    %dma_start3A_52 = tpu.memref_squeeze %dma_start3A_51 : memref<1x1x100001xf32, #tpu.memory_space<hbm>> -> memref<100001xf32, #tpu.memory_space<hbm>>
    %dma_start3A_53 = arith.constant 0 : i32
    %dma_start3A_54 = tpu.memref_slice %dma_start3A_52[%dma_start3A_53] : memref<100001xf32, #tpu.memory_space<hbm>> -> memref<100001xf32, #tpu.memory_space<hbm>>
    tpu.enqueue_indirect_dma source(%dma_start3A_54 : memref<100001xf32, #tpu.memory_space<hbm>>) target(%arg6 : memref<16384xf32, #tpu.memory_space<vmem>>) offsets(%dma_start3A_49 : memref<16384xi32, #tpu.memory_space<vmem>>) semaphore(%arg8 : memref<!tpu.dma_semaphore, #tpu.memory_space<semaphore_mem>>)
    %add3A_55 = arith.constant 0 : i32
    %add3A_56 = arith.addi %mul3A_2, %add3A_55 : i32
    %add3A_57 = arith.constant 1 : i32
    %add3A_58 = arith.addi %add3A_56, %add3A_57 : i32
    %jit3A_59 = arith.constant 16 : i32
    %div3A_60 = arith.divsi %add3A_58, %jit3A_59 : i32
    %sign3A_61 = arith.constant 0 : i32
    %sign3A_62 = arith.cmpi sgt, %add3A_58, %sign3A_61 : i32
    %sign3A_63 = arith.extui %sign3A_62 : i1 to i32
    %sign3A_64 = arith.constant 0 : i32
    %sign3A_65 = arith.cmpi slt, %add3A_58, %sign3A_64 : i32
    %sign3A_66 = arith.extui %sign3A_65 : i1 to i32
    %sign3A_67 = arith.subi %sign3A_63, %sign3A_66 : i32
    %sign3A_68 = arith.constant 0 : i32
    %sign3A_69 = arith.cmpi sgt, %jit3A_59, %sign3A_68 : i32
    %sign3A_70 = arith.extui %sign3A_69 : i1 to i32
    %sign3A_71 = arith.constant 0 : i32
    %sign3A_72 = arith.cmpi slt, %jit3A_59, %sign3A_71 : i32
    %sign3A_73 = arith.extui %sign3A_72 : i1 to i32
    %sign3A_74 = arith.subi %sign3A_70, %sign3A_73 : i32
    %ne3A_75 = arith.cmpi ne, %sign3A_67, %sign3A_74 : i32
    %rem3A_76 = arith.remsi %add3A_58, %jit3A_59 : i32
    %ne3A_77 = arith.constant 0 : i32
    %ne3A_78 = arith.cmpi ne, %rem3A_76, %ne3A_77 : i32
    %and3A_79 = arith.andi %ne3A_75, %ne3A_78 : i1
    %sub3A_80 = arith.constant 1 : i32
    %sub3A_81 = arith.subi %div3A_60, %sub3A_80 : i32
    %select_n3A_82 = arith.select %and3A_79, %sub3A_81, %div3A_60 : i32
    %mul3A_83 = arith.constant 16 : i32
    %mul3A_84 = arith.muli %select_n3A_82, %mul3A_83 : i32
    %sub3A_85 = arith.subi %add3A_58, %mul3A_84 : i32
    %sub3A_86 = arith.subi %select_n3A_82, %min3A_19 : i32
    %dma_start3A_87 = arith.constant 0 : i32
    %dma_start3A_88 = tpu.memref_slice %arg5[%sub3A_86, %dma_start3A_87] : memref<2x16384xi32, #tpu.memory_space<vmem>> -> memref<1x16384xi32, #tpu.memory_space<vmem>>
    %dma_start3A_89 = tpu.memref_squeeze %dma_start3A_88 : memref<1x16384xi32, #tpu.memory_space<vmem>> -> memref<16384xi32, #tpu.memory_space<vmem>>
    %dma_start3A_90 = arith.constant 0 : i32
    %dma_start3A_91 = tpu.memref_slice %arg2[%select_n3A_82, %sub3A_85, %dma_start3A_90] : memref<26x16x100001xf32, #tpu.memory_space<hbm>> -> memref<1x1x100001xf32, #tpu.memory_space<hbm>>
    %dma_start3A_92 = tpu.memref_squeeze %dma_start3A_91 : memref<1x1x100001xf32, #tpu.memory_space<hbm>> -> memref<100001xf32, #tpu.memory_space<hbm>>
    %dma_start3A_93 = arith.constant 0 : i32
    %dma_start3A_94 = tpu.memref_slice %dma_start3A_92[%dma_start3A_93] : memref<100001xf32, #tpu.memory_space<hbm>> -> memref<100001xf32, #tpu.memory_space<hbm>>
    tpu.enqueue_indirect_dma source(%dma_start3A_94 : memref<100001xf32, #tpu.memory_space<hbm>>) target(%arg7 : memref<16384xf32, #tpu.memory_space<vmem>>) offsets(%dma_start3A_89 : memref<16384xi32, #tpu.memory_space<vmem>>) semaphore(%arg9 : memref<!tpu.dma_semaphore, #tpu.memory_space<semaphore_mem>>)
    %jit3A_95 = arith.constant 16 : i32
    %div3A_96 = arith.divsi %add3A_56, %jit3A_95 : i32
    %sign3A_97 = arith.constant 0 : i32
    %sign3A_98 = arith.cmpi sgt, %add3A_56, %sign3A_97 : i32
    %sign3A_99 = arith.extui %sign3A_98 : i1 to i32
    %sign3A_100 = arith.constant 0 : i32
    %sign3A_101 = arith.cmpi slt, %add3A_56, %sign3A_100 : i32
    %sign3A_102 = arith.extui %sign3A_101 : i1 to i32
    %sign3A_103 = arith.subi %sign3A_99, %sign3A_102 : i32
    %sign3A_104 = arith.constant 0 : i32
    %sign3A_105 = arith.cmpi sgt, %jit3A_95, %sign3A_104 : i32
    %sign3A_106 = arith.extui %sign3A_105 : i1 to i32
    %sign3A_107 = arith.constant 0 : i32
    %sign3A_108 = arith.cmpi slt, %jit3A_95, %sign3A_107 : i32
    %sign3A_109 = arith.extui %sign3A_108 : i1 to i32
    %sign3A_110 = arith.subi %sign3A_106, %sign3A_109 : i32
    %ne3A_111 = arith.cmpi ne, %sign3A_103, %sign3A_110 : i32
    %rem3A_112 = arith.remsi %add3A_56, %jit3A_95 : i32
    %ne3A_113 = arith.constant 0 : i32
    %ne3A_114 = arith.cmpi ne, %rem3A_112, %ne3A_113 : i32
    %and3A_115 = arith.andi %ne3A_111, %ne3A_114 : i1
    %sub3A_116 = arith.constant 1 : i32
    %sub3A_117 = arith.subi %div3A_96, %sub3A_116 : i32
    %select_n3A_118 = arith.select %and3A_115, %sub3A_117, %div3A_96 : i32
    %mul3A_119 = arith.constant 16 : i32
    %mul3A_120 = arith.muli %select_n3A_118, %mul3A_119 : i32
    %sub3A_121 = arith.subi %add3A_56, %mul3A_120 : i32
    %sub3A_122 = arith.subi %select_n3A_118, %min3A_19 : i32
    %dma_wait3A = arith.constant 0 : i32
    %dma_wait3A_123 = tpu.memref_slice %arg5[%sub3A_122, %dma_wait3A] : memref<2x16384xi32, #tpu.memory_space<vmem>> -> memref<1x16384xi32, #tpu.memory_space<vmem>>
    %dma_wait3A_124 = tpu.memref_squeeze %dma_wait3A_123 : memref<1x16384xi32, #tpu.memory_space<vmem>> -> memref<16384xi32, #tpu.memory_space<vmem>>
    %dma_wait3A_125 = arith.constant 0 : i32
    %dma_wait3A_126 = tpu.memref_slice %arg2[%select_n3A_118, %sub3A_121, %dma_wait3A_125] : memref<26x16x100001xf32, #tpu.memory_space<hbm>> -> memref<1x1x100001xf32, #tpu.memory_space<hbm>>
    %dma_wait3A_127 = tpu.memref_squeeze %dma_wait3A_126 : memref<1x1x100001xf32, #tpu.memory_space<hbm>> -> memref<100001xf32, #tpu.memory_space<hbm>>
    %dma_wait3A_128 = arith.constant 0 : i32
    %dma_wait3A_129 = tpu.memref_slice %dma_wait3A_127[%dma_wait3A_128] : memref<100001xf32, #tpu.memory_space<hbm>> -> memref<100001xf32, #tpu.memory_space<hbm>>
    tpu.wait_indirect_dma semaphore(%arg8 : memref<!tpu.dma_semaphore, #tpu.memory_space<semaphore_mem>>) src(%dma_wait3A_129 : memref<100001xf32, #tpu.memory_space<hbm>>) dst(%arg6 : memref<16384xf32, #tpu.memory_space<vmem>>)
    "tpu.region"() ({
      %run_scoped3A = tpu.sem_alloc : memref<!tpu.dma_semaphore, #tpu.memory_space<semaphore_mem>>
      %dma_start3A_1004 = arith.constant 0 : i32
      %dma_start3A_1005 = tpu.memref_slice %arg4[%select_n3A_118, %sub3A_121, %dma_start3A_1004] : memref<26x16x16384xf32, #tpu.memory_space<hbm>> -> memref<1x1x16384xf32, #tpu.memory_space<hbm>>
      %dma_start3A_1006 = tpu.memref_squeeze %dma_start3A_1005 : memref<1x1x16384xf32, #tpu.memory_space<hbm>> -> memref<16384xf32, #tpu.memory_space<hbm>>
      %dma_start3A_1007 = arith.constant 0 : i32
      %dma_start3A_1008 = tpu.memref_slice %arg4[%select_n3A_118, %sub3A_121, %dma_start3A_1007] : memref<26x16x16384xf32, #tpu.memory_space<hbm>> -> memref<1x1x16384xf32, #tpu.memory_space<hbm>>
      %dma_start3A_1009 = tpu.memref_squeeze %dma_start3A_1008 : memref<1x1x16384xf32, #tpu.memory_space<hbm>> -> memref<16384xf32, #tpu.memory_space<hbm>>
      tpu.enqueue_dma source(%arg6 : memref<16384xf32, #tpu.memory_space<vmem>>) target(%dma_start3A_1009 : memref<16384xf32, #tpu.memory_space<hbm>>) target_semaphore(%run_scoped3A : memref<!tpu.dma_semaphore, #tpu.memory_space<semaphore_mem>>)
      %dma_wait3A_1010 = arith.constant 0 : i32
      %dma_wait3A_1011 = tpu.memref_slice %arg4[%select_n3A_118, %sub3A_121, %dma_wait3A_1010] : memref<26x16x16384xf32, #tpu.memory_space<hbm>> -> memref<1x1x16384xf32, #tpu.memory_space<hbm>>
      %dma_wait3A_1012 = tpu.memref_squeeze %dma_wait3A_1011 : memref<1x1x16384xf32, #tpu.memory_space<hbm>> -> memref<16384xf32, #tpu.memory_space<hbm>>
      %dma_wait3A_1013 = arith.constant 0 : i32
      %dma_wait3A_1014 = tpu.memref_slice %arg4[%select_n3A_118, %sub3A_121, %dma_wait3A_1013] : memref<26x16x16384xf32, #tpu.memory_space<hbm>> -> memref<1x1x16384xf32, #tpu.memory_space<hbm>>
      %dma_wait3A_1015 = tpu.memref_squeeze %dma_wait3A_1014 : memref<1x1x16384xf32, #tpu.memory_space<hbm>> -> memref<16384xf32, #tpu.memory_space<hbm>>
      tpu.wait_dma2 semaphore(%run_scoped3A : memref<!tpu.dma_semaphore, #tpu.memory_space<semaphore_mem>>) src(%arg6 : memref<16384xf32, #tpu.memory_space<vmem>>) dst(%dma_wait3A_1015 : memref<16384xf32, #tpu.memory_space<hbm>>)
      tpu.yield
    }) : () -> ()
    %add3A_130 = arith.constant 1 : i32
    %add3A_131 = arith.addi %mul3A_2, %add3A_130 : i32
    %add3A_132 = arith.constant 1 : i32
    %add3A_133 = arith.addi %add3A_131, %add3A_132 : i32
    %jit3A_134 = arith.constant 16 : i32
    %div3A_135 = arith.divsi %add3A_133, %jit3A_134 : i32
    %sign3A_136 = arith.constant 0 : i32
    %sign3A_137 = arith.cmpi sgt, %add3A_133, %sign3A_136 : i32
    %sign3A_138 = arith.extui %sign3A_137 : i1 to i32
    %sign3A_139 = arith.constant 0 : i32
    %sign3A_140 = arith.cmpi slt, %add3A_133, %sign3A_139 : i32
    %sign3A_141 = arith.extui %sign3A_140 : i1 to i32
    %sign3A_142 = arith.subi %sign3A_138, %sign3A_141 : i32
    %sign3A_143 = arith.constant 0 : i32
    %sign3A_144 = arith.cmpi sgt, %jit3A_134, %sign3A_143 : i32
    %sign3A_145 = arith.extui %sign3A_144 : i1 to i32
    %sign3A_146 = arith.constant 0 : i32
    %sign3A_147 = arith.cmpi slt, %jit3A_134, %sign3A_146 : i32
    %sign3A_148 = arith.extui %sign3A_147 : i1 to i32
    %sign3A_149 = arith.subi %sign3A_145, %sign3A_148 : i32
    %ne3A_150 = arith.cmpi ne, %sign3A_142, %sign3A_149 : i32
    %rem3A_151 = arith.remsi %add3A_133, %jit3A_134 : i32
    %ne3A_152 = arith.constant 0 : i32
    %ne3A_153 = arith.cmpi ne, %rem3A_151, %ne3A_152 : i32
    %and3A_154 = arith.andi %ne3A_150, %ne3A_153 : i1
    %sub3A_155 = arith.constant 1 : i32
    %sub3A_156 = arith.subi %div3A_135, %sub3A_155 : i32
    %select_n3A_157 = arith.select %and3A_154, %sub3A_156, %div3A_135 : i32
    %mul3A_158 = arith.constant 16 : i32
    %mul3A_159 = arith.muli %select_n3A_157, %mul3A_158 : i32
    %sub3A_160 = arith.subi %add3A_133, %mul3A_159 : i32
    %sub3A_161 = arith.subi %select_n3A_157, %min3A_19 : i32
    %dma_start3A_162 = arith.constant 0 : i32
    %dma_start3A_163 = tpu.memref_slice %arg5[%sub3A_161, %dma_start3A_162] : memref<2x16384xi32, #tpu.memory_space<vmem>> -> memref<1x16384xi32, #tpu.memory_space<vmem>>
    %dma_start3A_164 = tpu.memref_squeeze %dma_start3A_163 : memref<1x16384xi32, #tpu.memory_space<vmem>> -> memref<16384xi32, #tpu.memory_space<vmem>>
    %dma_start3A_165 = arith.constant 0 : i32
    %dma_start3A_166 = tpu.memref_slice %arg2[%select_n3A_157, %sub3A_160, %dma_start3A_165] : memref<26x16x100001xf32, #tpu.memory_space<hbm>> -> memref<1x1x100001xf32, #tpu.memory_space<hbm>>
    %dma_start3A_167 = tpu.memref_squeeze %dma_start3A_166 : memref<1x1x100001xf32, #tpu.memory_space<hbm>> -> memref<100001xf32, #tpu.memory_space<hbm>>
    %dma_start3A_168 = arith.constant 0 : i32
    %dma_start3A_169 = tpu.memref_slice %dma_start3A_167[%dma_start3A_168] : memref<100001xf32, #tpu.memory_space<hbm>> -> memref<100001xf32, #tpu.memory_space<hbm>>
    tpu.enqueue_indirect_dma source(%dma_start3A_169 : memref<100001xf32, #tpu.memory_space<hbm>>) target(%arg6 : memref<16384xf32, #tpu.memory_space<vmem>>) offsets(%dma_start3A_164 : memref<16384xi32, #tpu.memory_space<vmem>>) semaphore(%arg8 : memref<!tpu.dma_semaphore, #tpu.memory_space<semaphore_mem>>)
    %jit3A_170 = arith.constant 16 : i32
    %div3A_171 = arith.divsi %add3A_131, %jit3A_170 : i32
    %sign3A_172 = arith.constant 0 : i32
    %sign3A_173 = arith.cmpi sgt, %add3A_131, %sign3A_172 : i32
    %sign3A_174 = arith.extui %sign3A_173 : i1 to i32
    %sign3A_175 = arith.constant 0 : i32
    %sign3A_176 = arith.cmpi slt, %add3A_131, %sign3A_175 : i32
    %sign3A_177 = arith.extui %sign3A_176 : i1 to i32
    %sign3A_178 = arith.subi %sign3A_174, %sign3A_177 : i32
    %sign3A_179 = arith.constant 0 : i32
    %sign3A_180 = arith.cmpi sgt, %jit3A_170, %sign3A_179 : i32
    %sign3A_181 = arith.extui %sign3A_180 : i1 to i32
    %sign3A_182 = arith.constant 0 : i32
    %sign3A_183 = arith.cmpi slt, %jit3A_170, %sign3A_182 : i32
    %sign3A_184 = arith.extui %sign3A_183 : i1 to i32
    %sign3A_185 = arith.subi %sign3A_181, %sign3A_184 : i32
    %ne3A_186 = arith.cmpi ne, %sign3A_178, %sign3A_185 : i32
    %rem3A_187 = arith.remsi %add3A_131, %jit3A_170 : i32
    %ne3A_188 = arith.constant 0 : i32
    %ne3A_189 = arith.cmpi ne, %rem3A_187, %ne3A_188 : i32
    %and3A_190 = arith.andi %ne3A_186, %ne3A_189 : i1
    %sub3A_191 = arith.constant 1 : i32
    %sub3A_192 = arith.subi %div3A_171, %sub3A_191 : i32
    %select_n3A_193 = arith.select %and3A_190, %sub3A_192, %div3A_171 : i32
    %mul3A_194 = arith.constant 16 : i32
    %mul3A_195 = arith.muli %select_n3A_193, %mul3A_194 : i32
    %sub3A_196 = arith.subi %add3A_131, %mul3A_195 : i32
    %sub3A_197 = arith.subi %select_n3A_193, %min3A_19 : i32
    %dma_wait3A_198 = arith.constant 0 : i32
    %dma_wait3A_199 = tpu.memref_slice %arg5[%sub3A_197, %dma_wait3A_198] : memref<2x16384xi32, #tpu.memory_space<vmem>> -> memref<1x16384xi32, #tpu.memory_space<vmem>>
    %dma_wait3A_200 = tpu.memref_squeeze %dma_wait3A_199 : memref<1x16384xi32, #tpu.memory_space<vmem>> -> memref<16384xi32, #tpu.memory_space<vmem>>
    %dma_wait3A_201 = arith.constant 0 : i32
    %dma_wait3A_202 = tpu.memref_slice %arg2[%select_n3A_193, %sub3A_196, %dma_wait3A_201] : memref<26x16x100001xf32, #tpu.memory_space<hbm>> -> memref<1x1x100001xf32, #tpu.memory_space<hbm>>
    %dma_wait3A_203 = tpu.memref_squeeze %dma_wait3A_202 : memref<1x1x100001xf32, #tpu.memory_space<hbm>> -> memref<100001xf32, #tpu.memory_space<hbm>>
    %dma_wait3A_204 = arith.constant 0 : i32
    %dma_wait3A_205 = tpu.memref_slice %dma_wait3A_203[%dma_wait3A_204] : memref<100001xf32, #tpu.memory_space<hbm>> -> memref<100001xf32, #tpu.memory_space<hbm>>
    tpu.wait_indirect_dma semaphore(%arg9 : memref<!tpu.dma_semaphore, #tpu.memory_space<semaphore_mem>>) src(%dma_wait3A_205 : memref<100001xf32, #tpu.memory_space<hbm>>) dst(%arg7 : memref<16384xf32, #tpu.memory_space<vmem>>)
    "tpu.region"() ({
      %run_scoped3A = tpu.sem_alloc : memref<!tpu.dma_semaphore, #tpu.memory_space<semaphore_mem>>
      %dma_start3A_1004 = arith.constant 0 : i32
      %dma_start3A_1005 = tpu.memref_slice %arg4[%select_n3A_193, %sub3A_196, %dma_start3A_1004] : memref<26x16x16384xf32, #tpu.memory_space<hbm>> -> memref<1x1x16384xf32, #tpu.memory_space<hbm>>
      %dma_start3A_1006 = tpu.memref_squeeze %dma_start3A_1005 : memref<1x1x16384xf32, #tpu.memory_space<hbm>> -> memref<16384xf32, #tpu.memory_space<hbm>>
      %dma_start3A_1007 = arith.constant 0 : i32
      %dma_start3A_1008 = tpu.memref_slice %arg4[%select_n3A_193, %sub3A_196, %dma_start3A_1007] : memref<26x16x16384xf32, #tpu.memory_space<hbm>> -> memref<1x1x16384xf32, #tpu.memory_space<hbm>>
      %dma_start3A_1009 = tpu.memref_squeeze %dma_start3A_1008 : memref<1x1x16384xf32, #tpu.memory_space<hbm>> -> memref<16384xf32, #tpu.memory_space<hbm>>
      tpu.enqueue_dma source(%arg7 : memref<16384xf32, #tpu.memory_space<vmem>>) target(%dma_start3A_1009 : memref<16384xf32, #tpu.memory_space<hbm>>) target_semaphore(%run_scoped3A : memref<!tpu.dma_semaphore, #tpu.memory_space<semaphore_mem>>)
      %dma_wait3A_1010 = arith.constant 0 : i32
      %dma_wait3A_1011 = tpu.memref_slice %arg4[%select_n3A_193, %sub3A_196, %dma_wait3A_1010] : memref<26x16x16384xf32, #tpu.memory_space<hbm>> -> memref<1x1x16384xf32, #tpu.memory_space<hbm>>
      %dma_wait3A_1012 = tpu.memref_squeeze %dma_wait3A_1011 : memref<1x1x16384xf32, #tpu.memory_space<hbm>> -> memref<16384xf32, #tpu.memory_space<hbm>>
      %dma_wait3A_1013 = arith.constant 0 : i32
      %dma_wait3A_1014 = tpu.memref_slice %arg4[%select_n3A_193, %sub3A_196, %dma_wait3A_1013] : memref<26x16x16384xf32, #tpu.memory_space<hbm>> -> memref<1x1x16384xf32, #tpu.memory_space<hbm>>
      %dma_wait3A_1015 = tpu.memref_squeeze %dma_wait3A_1014 : memref<1x1x16384xf32, #tpu.memory_space<hbm>> -> memref<16384xf32, #tpu.memory_space<hbm>>
      tpu.wait_dma2 semaphore(%run_scoped3A : memref<!tpu.dma_semaphore, #tpu.memory_space<semaphore_mem>>) src(%arg7 : memref<16384xf32, #tpu.memory_space<vmem>>) dst(%dma_wait3A_1015 : memref<16384xf32, #tpu.memory_space<hbm>>)
      tpu.yield
    }) : () -> ()
    %add3A_206 = arith.constant 2 : i32
    %add3A_207 = arith.addi %mul3A_2, %add3A_206 : i32
    %add3A_208 = arith.constant 1 : i32
    %add3A_209 = arith.addi %add3A_207, %add3A_208 : i32
    %jit3A_210 = arith.constant 16 : i32
    %div3A_211 = arith.divsi %add3A_209, %jit3A_210 : i32
    %sign3A_212 = arith.constant 0 : i32
    %sign3A_213 = arith.cmpi sgt, %add3A_209, %sign3A_212 : i32
    %sign3A_214 = arith.extui %sign3A_213 : i1 to i32
    %sign3A_215 = arith.constant 0 : i32
    %sign3A_216 = arith.cmpi slt, %add3A_209, %sign3A_215 : i32
    %sign3A_217 = arith.extui %sign3A_216 : i1 to i32
    %sign3A_218 = arith.subi %sign3A_214, %sign3A_217 : i32
    %sign3A_219 = arith.constant 0 : i32
    %sign3A_220 = arith.cmpi sgt, %jit3A_210, %sign3A_219 : i32
    %sign3A_221 = arith.extui %sign3A_220 : i1 to i32
    %sign3A_222 = arith.constant 0 : i32
    %sign3A_223 = arith.cmpi slt, %jit3A_210, %sign3A_222 : i32
    %sign3A_224 = arith.extui %sign3A_223 : i1 to i32
    %sign3A_225 = arith.subi %sign3A_221, %sign3A_224 : i32
    %ne3A_226 = arith.cmpi ne, %sign3A_218, %sign3A_225 : i32
    %rem3A_227 = arith.remsi %add3A_209, %jit3A_210 : i32
    %ne3A_228 = arith.constant 0 : i32
    %ne3A_229 = arith.cmpi ne, %rem3A_227, %ne3A_228 : i32
    %and3A_230 = arith.andi %ne3A_226, %ne3A_229 : i1
    %sub3A_231 = arith.constant 1 : i32
    %sub3A_232 = arith.subi %div3A_211, %sub3A_231 : i32
    %select_n3A_233 = arith.select %and3A_230, %sub3A_232, %div3A_211 : i32
    %mul3A_234 = arith.constant 16 : i32
    %mul3A_235 = arith.muli %select_n3A_233, %mul3A_234 : i32
    %sub3A_236 = arith.subi %add3A_209, %mul3A_235 : i32
    %sub3A_237 = arith.subi %select_n3A_233, %min3A_19 : i32
    %dma_start3A_238 = arith.constant 0 : i32
    %dma_start3A_239 = tpu.memref_slice %arg5[%sub3A_237, %dma_start3A_238] : memref<2x16384xi32, #tpu.memory_space<vmem>> -> memref<1x16384xi32, #tpu.memory_space<vmem>>
    %dma_start3A_240 = tpu.memref_squeeze %dma_start3A_239 : memref<1x16384xi32, #tpu.memory_space<vmem>> -> memref<16384xi32, #tpu.memory_space<vmem>>
    %dma_start3A_241 = arith.constant 0 : i32
    %dma_start3A_242 = tpu.memref_slice %arg2[%select_n3A_233, %sub3A_236, %dma_start3A_241] : memref<26x16x100001xf32, #tpu.memory_space<hbm>> -> memref<1x1x100001xf32, #tpu.memory_space<hbm>>
    %dma_start3A_243 = tpu.memref_squeeze %dma_start3A_242 : memref<1x1x100001xf32, #tpu.memory_space<hbm>> -> memref<100001xf32, #tpu.memory_space<hbm>>
    %dma_start3A_244 = arith.constant 0 : i32
    %dma_start3A_245 = tpu.memref_slice %dma_start3A_243[%dma_start3A_244] : memref<100001xf32, #tpu.memory_space<hbm>> -> memref<100001xf32, #tpu.memory_space<hbm>>
    tpu.enqueue_indirect_dma source(%dma_start3A_245 : memref<100001xf32, #tpu.memory_space<hbm>>) target(%arg7 : memref<16384xf32, #tpu.memory_space<vmem>>) offsets(%dma_start3A_240 : memref<16384xi32, #tpu.memory_space<vmem>>) semaphore(%arg9 : memref<!tpu.dma_semaphore, #tpu.memory_space<semaphore_mem>>)
    %jit3A_246 = arith.constant 16 : i32
    %div3A_247 = arith.divsi %add3A_207, %jit3A_246 : i32
    %sign3A_248 = arith.constant 0 : i32
    %sign3A_249 = arith.cmpi sgt, %add3A_207, %sign3A_248 : i32
    %sign3A_250 = arith.extui %sign3A_249 : i1 to i32
    %sign3A_251 = arith.constant 0 : i32
    %sign3A_252 = arith.cmpi slt, %add3A_207, %sign3A_251 : i32
    %sign3A_253 = arith.extui %sign3A_252 : i1 to i32
    %sign3A_254 = arith.subi %sign3A_250, %sign3A_253 : i32
    %sign3A_255 = arith.constant 0 : i32
    %sign3A_256 = arith.cmpi sgt, %jit3A_246, %sign3A_255 : i32
    %sign3A_257 = arith.extui %sign3A_256 : i1 to i32
    %sign3A_258 = arith.constant 0 : i32
    %sign3A_259 = arith.cmpi slt, %jit3A_246, %sign3A_258 : i32
    %sign3A_260 = arith.extui %sign3A_259 : i1 to i32
    %sign3A_261 = arith.subi %sign3A_257, %sign3A_260 : i32
    %ne3A_262 = arith.cmpi ne, %sign3A_254, %sign3A_261 : i32
    %rem3A_263 = arith.remsi %add3A_207, %jit3A_246 : i32
    %ne3A_264 = arith.constant 0 : i32
    %ne3A_265 = arith.cmpi ne, %rem3A_263, %ne3A_264 : i32
    %and3A_266 = arith.andi %ne3A_262, %ne3A_265 : i1
    %sub3A_267 = arith.constant 1 : i32
    %sub3A_268 = arith.subi %div3A_247, %sub3A_267 : i32
    %select_n3A_269 = arith.select %and3A_266, %sub3A_268, %div3A_247 : i32
    %mul3A_270 = arith.constant 16 : i32
    %mul3A_271 = arith.muli %select_n3A_269, %mul3A_270 : i32
    %sub3A_272 = arith.subi %add3A_207, %mul3A_271 : i32
    %sub3A_273 = arith.subi %select_n3A_269, %min3A_19 : i32
    %dma_wait3A_274 = arith.constant 0 : i32
    %dma_wait3A_275 = tpu.memref_slice %arg5[%sub3A_273, %dma_wait3A_274] : memref<2x16384xi32, #tpu.memory_space<vmem>> -> memref<1x16384xi32, #tpu.memory_space<vmem>>
    %dma_wait3A_276 = tpu.memref_squeeze %dma_wait3A_275 : memref<1x16384xi32, #tpu.memory_space<vmem>> -> memref<16384xi32, #tpu.memory_space<vmem>>
    %dma_wait3A_277 = arith.constant 0 : i32
    %dma_wait3A_278 = tpu.memref_slice %arg2[%select_n3A_269, %sub3A_272, %dma_wait3A_277] : memref<26x16x100001xf32, #tpu.memory_space<hbm>> -> memref<1x1x100001xf32, #tpu.memory_space<hbm>>
    %dma_wait3A_279 = tpu.memref_squeeze %dma_wait3A_278 : memref<1x1x100001xf32, #tpu.memory_space<hbm>> -> memref<100001xf32, #tpu.memory_space<hbm>>
    %dma_wait3A_280 = arith.constant 0 : i32
    %dma_wait3A_281 = tpu.memref_slice %dma_wait3A_279[%dma_wait3A_280] : memref<100001xf32, #tpu.memory_space<hbm>> -> memref<100001xf32, #tpu.memory_space<hbm>>
    tpu.wait_indirect_dma semaphore(%arg8 : memref<!tpu.dma_semaphore, #tpu.memory_space<semaphore_mem>>) src(%dma_wait3A_281 : memref<100001xf32, #tpu.memory_space<hbm>>) dst(%arg6 : memref<16384xf32, #tpu.memory_space<vmem>>)
    "tpu.region"() ({
      %run_scoped3A = tpu.sem_alloc : memref<!tpu.dma_semaphore, #tpu.memory_space<semaphore_mem>>
      %dma_start3A_1004 = arith.constant 0 : i32
      %dma_start3A_1005 = tpu.memref_slice %arg4[%select_n3A_269, %sub3A_272, %dma_start3A_1004] : memref<26x16x16384xf32, #tpu.memory_space<hbm>> -> memref<1x1x16384xf32, #tpu.memory_space<hbm>>
      %dma_start3A_1006 = tpu.memref_squeeze %dma_start3A_1005 : memref<1x1x16384xf32, #tpu.memory_space<hbm>> -> memref<16384xf32, #tpu.memory_space<hbm>>
      %dma_start3A_1007 = arith.constant 0 : i32
      %dma_start3A_1008 = tpu.memref_slice %arg4[%select_n3A_269, %sub3A_272, %dma_start3A_1007] : memref<26x16x16384xf32, #tpu.memory_space<hbm>> -> memref<1x1x16384xf32, #tpu.memory_space<hbm>>
      %dma_start3A_1009 = tpu.memref_squeeze %dma_start3A_1008 : memref<1x1x16384xf32, #tpu.memory_space<hbm>> -> memref<16384xf32, #tpu.memory_space<hbm>>
      tpu.enqueue_dma source(%arg6 : memref<16384xf32, #tpu.memory_space<vmem>>) target(%dma_start3A_1009 : memref<16384xf32, #tpu.memory_space<hbm>>) target_semaphore(%run_scoped3A : memref<!tpu.dma_semaphore, #tpu.memory_space<semaphore_mem>>)
      %dma_wait3A_1010 = arith.constant 0 : i32
      %dma_wait3A_1011 = tpu.memref_slice %arg4[%select_n3A_269, %sub3A_272, %dma_wait3A_1010] : memref<26x16x16384xf32, #tpu.memory_space<hbm>> -> memref<1x1x16384xf32, #tpu.memory_space<hbm>>
      %dma_wait3A_1012 = tpu.memref_squeeze %dma_wait3A_1011 : memref<1x1x16384xf32, #tpu.memory_space<hbm>> -> memref<16384xf32, #tpu.memory_space<hbm>>
      %dma_wait3A_1013 = arith.constant 0 : i32
      %dma_wait3A_1014 = tpu.memref_slice %arg4[%select_n3A_269, %sub3A_272, %dma_wait3A_1013] : memref<26x16x16384xf32, #tpu.memory_space<hbm>> -> memref<1x1x16384xf32, #tpu.memory_space<hbm>>
      %dma_wait3A_1015 = tpu.memref_squeeze %dma_wait3A_1014 : memref<1x1x16384xf32, #tpu.memory_space<hbm>> -> memref<16384xf32, #tpu.memory_space<hbm>>
      tpu.wait_dma2 semaphore(%run_scoped3A : memref<!tpu.dma_semaphore, #tpu.memory_space<semaphore_mem>>) src(%arg6 : memref<16384xf32, #tpu.memory_space<vmem>>) dst(%dma_wait3A_1015 : memref<16384xf32, #tpu.memory_space<hbm>>)
      tpu.yield
    }) : () -> ()
    %add3A_282 = arith.constant 3 : i32
    %add3A_283 = arith.addi %mul3A_2, %add3A_282 : i32
    %add3A_284 = arith.constant 1 : i32
    %add3A_285 = arith.addi %add3A_283, %add3A_284 : i32
    %jit3A_286 = arith.constant 16 : i32
    %div3A_287 = arith.divsi %add3A_285, %jit3A_286 : i32
    %sign3A_288 = arith.constant 0 : i32
    %sign3A_289 = arith.cmpi sgt, %add3A_285, %sign3A_288 : i32
    %sign3A_290 = arith.extui %sign3A_289 : i1 to i32
    %sign3A_291 = arith.constant 0 : i32
    %sign3A_292 = arith.cmpi slt, %add3A_285, %sign3A_291 : i32
    %sign3A_293 = arith.extui %sign3A_292 : i1 to i32
    %sign3A_294 = arith.subi %sign3A_290, %sign3A_293 : i32
    %sign3A_295 = arith.constant 0 : i32
    %sign3A_296 = arith.cmpi sgt, %jit3A_286, %sign3A_295 : i32
    %sign3A_297 = arith.extui %sign3A_296 : i1 to i32
    %sign3A_298 = arith.constant 0 : i32
    %sign3A_299 = arith.cmpi slt, %jit3A_286, %sign3A_298 : i32
    %sign3A_300 = arith.extui %sign3A_299 : i1 to i32
    %sign3A_301 = arith.subi %sign3A_297, %sign3A_300 : i32
    %ne3A_302 = arith.cmpi ne, %sign3A_294, %sign3A_301 : i32
    %rem3A_303 = arith.remsi %add3A_285, %jit3A_286 : i32
    %ne3A_304 = arith.constant 0 : i32
    %ne3A_305 = arith.cmpi ne, %rem3A_303, %ne3A_304 : i32
    %and3A_306 = arith.andi %ne3A_302, %ne3A_305 : i1
    %sub3A_307 = arith.constant 1 : i32
    %sub3A_308 = arith.subi %div3A_287, %sub3A_307 : i32
    %select_n3A_309 = arith.select %and3A_306, %sub3A_308, %div3A_287 : i32
    %mul3A_310 = arith.constant 16 : i32
    %mul3A_311 = arith.muli %select_n3A_309, %mul3A_310 : i32
    %sub3A_312 = arith.subi %add3A_285, %mul3A_311 : i32
    %sub3A_313 = arith.subi %select_n3A_309, %min3A_19 : i32
    %dma_start3A_314 = arith.constant 0 : i32
    %dma_start3A_315 = tpu.memref_slice %arg5[%sub3A_313, %dma_start3A_314] : memref<2x16384xi32, #tpu.memory_space<vmem>> -> memref<1x16384xi32, #tpu.memory_space<vmem>>
    %dma_start3A_316 = tpu.memref_squeeze %dma_start3A_315 : memref<1x16384xi32, #tpu.memory_space<vmem>> -> memref<16384xi32, #tpu.memory_space<vmem>>
    %dma_start3A_317 = arith.constant 0 : i32
    %dma_start3A_318 = tpu.memref_slice %arg2[%select_n3A_309, %sub3A_312, %dma_start3A_317] : memref<26x16x100001xf32, #tpu.memory_space<hbm>> -> memref<1x1x100001xf32, #tpu.memory_space<hbm>>
    %dma_start3A_319 = tpu.memref_squeeze %dma_start3A_318 : memref<1x1x100001xf32, #tpu.memory_space<hbm>> -> memref<100001xf32, #tpu.memory_space<hbm>>
    %dma_start3A_320 = arith.constant 0 : i32
    %dma_start3A_321 = tpu.memref_slice %dma_start3A_319[%dma_start3A_320] : memref<100001xf32, #tpu.memory_space<hbm>> -> memref<100001xf32, #tpu.memory_space<hbm>>
    tpu.enqueue_indirect_dma source(%dma_start3A_321 : memref<100001xf32, #tpu.memory_space<hbm>>) target(%arg6 : memref<16384xf32, #tpu.memory_space<vmem>>) offsets(%dma_start3A_316 : memref<16384xi32, #tpu.memory_space<vmem>>) semaphore(%arg8 : memref<!tpu.dma_semaphore, #tpu.memory_space<semaphore_mem>>)
    %jit3A_322 = arith.constant 16 : i32
    %div3A_323 = arith.divsi %add3A_283, %jit3A_322 : i32
    %sign3A_324 = arith.constant 0 : i32
    %sign3A_325 = arith.cmpi sgt, %add3A_283, %sign3A_324 : i32
    %sign3A_326 = arith.extui %sign3A_325 : i1 to i32
    %sign3A_327 = arith.constant 0 : i32
    %sign3A_328 = arith.cmpi slt, %add3A_283, %sign3A_327 : i32
    %sign3A_329 = arith.extui %sign3A_328 : i1 to i32
    %sign3A_330 = arith.subi %sign3A_326, %sign3A_329 : i32
    %sign3A_331 = arith.constant 0 : i32
    %sign3A_332 = arith.cmpi sgt, %jit3A_322, %sign3A_331 : i32
    %sign3A_333 = arith.extui %sign3A_332 : i1 to i32
    %sign3A_334 = arith.constant 0 : i32
    %sign3A_335 = arith.cmpi slt, %jit3A_322, %sign3A_334 : i32
    %sign3A_336 = arith.extui %sign3A_335 : i1 to i32
    %sign3A_337 = arith.subi %sign3A_333, %sign3A_336 : i32
    %ne3A_338 = arith.cmpi ne, %sign3A_330, %sign3A_337 : i32
    %rem3A_339 = arith.remsi %add3A_283, %jit3A_322 : i32
    %ne3A_340 = arith.constant 0 : i32
    %ne3A_341 = arith.cmpi ne, %rem3A_339, %ne3A_340 : i32
    %and3A_342 = arith.andi %ne3A_338, %ne3A_341 : i1
    %sub3A_343 = arith.constant 1 : i32
    %sub3A_344 = arith.subi %div3A_323, %sub3A_343 : i32
    %select_n3A_345 = arith.select %and3A_342, %sub3A_344, %div3A_323 : i32
    %mul3A_346 = arith.constant 16 : i32
    %mul3A_347 = arith.muli %select_n3A_345, %mul3A_346 : i32
    %sub3A_348 = arith.subi %add3A_283, %mul3A_347 : i32
    %sub3A_349 = arith.subi %select_n3A_345, %min3A_19 : i32
    %dma_wait3A_350 = arith.constant 0 : i32
    %dma_wait3A_351 = tpu.memref_slice %arg5[%sub3A_349, %dma_wait3A_350] : memref<2x16384xi32, #tpu.memory_space<vmem>> -> memref<1x16384xi32, #tpu.memory_space<vmem>>
    %dma_wait3A_352 = tpu.memref_squeeze %dma_wait3A_351 : memref<1x16384xi32, #tpu.memory_space<vmem>> -> memref<16384xi32, #tpu.memory_space<vmem>>
    %dma_wait3A_353 = arith.constant 0 : i32
    %dma_wait3A_354 = tpu.memref_slice %arg2[%select_n3A_345, %sub3A_348, %dma_wait3A_353] : memref<26x16x100001xf32, #tpu.memory_space<hbm>> -> memref<1x1x100001xf32, #tpu.memory_space<hbm>>
    %dma_wait3A_355 = tpu.memref_squeeze %dma_wait3A_354 : memref<1x1x100001xf32, #tpu.memory_space<hbm>> -> memref<100001xf32, #tpu.memory_space<hbm>>
    %dma_wait3A_356 = arith.constant 0 : i32
    %dma_wait3A_357 = tpu.memref_slice %dma_wait3A_355[%dma_wait3A_356] : memref<100001xf32, #tpu.memory_space<hbm>> -> memref<100001xf32, #tpu.memory_space<hbm>>
    tpu.wait_indirect_dma semaphore(%arg9 : memref<!tpu.dma_semaphore, #tpu.memory_space<semaphore_mem>>) src(%dma_wait3A_357 : memref<100001xf32, #tpu.memory_space<hbm>>) dst(%arg7 : memref<16384xf32, #tpu.memory_space<vmem>>)
    "tpu.region"() ({
      %run_scoped3A = tpu.sem_alloc : memref<!tpu.dma_semaphore, #tpu.memory_space<semaphore_mem>>
      %dma_start3A_1004 = arith.constant 0 : i32
      %dma_start3A_1005 = tpu.memref_slice %arg4[%select_n3A_345, %sub3A_348, %dma_start3A_1004] : memref<26x16x16384xf32, #tpu.memory_space<hbm>> -> memref<1x1x16384xf32, #tpu.memory_space<hbm>>
      %dma_start3A_1006 = tpu.memref_squeeze %dma_start3A_1005 : memref<1x1x16384xf32, #tpu.memory_space<hbm>> -> memref<16384xf32, #tpu.memory_space<hbm>>
      %dma_start3A_1007 = arith.constant 0 : i32
      %dma_start3A_1008 = tpu.memref_slice %arg4[%select_n3A_345, %sub3A_348, %dma_start3A_1007] : memref<26x16x16384xf32, #tpu.memory_space<hbm>> -> memref<1x1x16384xf32, #tpu.memory_space<hbm>>
      %dma_start3A_1009 = tpu.memref_squeeze %dma_start3A_1008 : memref<1x1x16384xf32, #tpu.memory_space<hbm>> -> memref<16384xf32, #tpu.memory_space<hbm>>
      tpu.enqueue_dma source(%arg7 : memref<16384xf32, #tpu.memory_space<vmem>>) target(%dma_start3A_1009 : memref<16384xf32, #tpu.memory_space<hbm>>) target_semaphore(%run_scoped3A : memref<!tpu.dma_semaphore, #tpu.memory_space<semaphore_mem>>)
      %dma_wait3A_1010 = arith.constant 0 : i32
      %dma_wait3A_1011 = tpu.memref_slice %arg4[%select_n3A_345, %sub3A_348, %dma_wait3A_1010] : memref<26x16x16384xf32, #tpu.memory_space<hbm>> -> memref<1x1x16384xf32, #tpu.memory_space<hbm>>
      %dma_wait3A_1012 = tpu.memref_squeeze %dma_wait3A_1011 : memref<1x1x16384xf32, #tpu.memory_space<hbm>> -> memref<16384xf32, #tpu.memory_space<hbm>>
      %dma_wait3A_1013 = arith.constant 0 : i32
      %dma_wait3A_1014 = tpu.memref_slice %arg4[%select_n3A_345, %sub3A_348, %dma_wait3A_1013] : memref<26x16x16384xf32, #tpu.memory_space<hbm>> -> memref<1x1x16384xf32, #tpu.memory_space<hbm>>
      %dma_wait3A_1015 = tpu.memref_squeeze %dma_wait3A_1014 : memref<1x1x16384xf32, #tpu.memory_space<hbm>> -> memref<16384xf32, #tpu.memory_space<hbm>>
      tpu.wait_dma2 semaphore(%run_scoped3A : memref<!tpu.dma_semaphore, #tpu.memory_space<semaphore_mem>>) src(%arg7 : memref<16384xf32, #tpu.memory_space<vmem>>) dst(%dma_wait3A_1015 : memref<16384xf32, #tpu.memory_space<hbm>>)
      tpu.yield
    }) : () -> ()
    %add3A_358 = arith.constant 4 : i32
    %add3A_359 = arith.addi %mul3A_2, %add3A_358 : i32
    %add3A_360 = arith.constant 1 : i32
    %add3A_361 = arith.addi %add3A_359, %add3A_360 : i32
    %jit3A_362 = arith.constant 16 : i32
    %div3A_363 = arith.divsi %add3A_361, %jit3A_362 : i32
    %sign3A_364 = arith.constant 0 : i32
    %sign3A_365 = arith.cmpi sgt, %add3A_361, %sign3A_364 : i32
    %sign3A_366 = arith.extui %sign3A_365 : i1 to i32
    %sign3A_367 = arith.constant 0 : i32
    %sign3A_368 = arith.cmpi slt, %add3A_361, %sign3A_367 : i32
    %sign3A_369 = arith.extui %sign3A_368 : i1 to i32
    %sign3A_370 = arith.subi %sign3A_366, %sign3A_369 : i32
    %sign3A_371 = arith.constant 0 : i32
    %sign3A_372 = arith.cmpi sgt, %jit3A_362, %sign3A_371 : i32
    %sign3A_373 = arith.extui %sign3A_372 : i1 to i32
    %sign3A_374 = arith.constant 0 : i32
    %sign3A_375 = arith.cmpi slt, %jit3A_362, %sign3A_374 : i32
    %sign3A_376 = arith.extui %sign3A_375 : i1 to i32
    %sign3A_377 = arith.subi %sign3A_373, %sign3A_376 : i32
    %ne3A_378 = arith.cmpi ne, %sign3A_370, %sign3A_377 : i32
    %rem3A_379 = arith.remsi %add3A_361, %jit3A_362 : i32
    %ne3A_380 = arith.constant 0 : i32
    %ne3A_381 = arith.cmpi ne, %rem3A_379, %ne3A_380 : i32
    %and3A_382 = arith.andi %ne3A_378, %ne3A_381 : i1
    %sub3A_383 = arith.constant 1 : i32
    %sub3A_384 = arith.subi %div3A_363, %sub3A_383 : i32
    %select_n3A_385 = arith.select %and3A_382, %sub3A_384, %div3A_363 : i32
    %mul3A_386 = arith.constant 16 : i32
    %mul3A_387 = arith.muli %select_n3A_385, %mul3A_386 : i32
    %sub3A_388 = arith.subi %add3A_361, %mul3A_387 : i32
    %sub3A_389 = arith.subi %select_n3A_385, %min3A_19 : i32
    %dma_start3A_390 = arith.constant 0 : i32
    %dma_start3A_391 = tpu.memref_slice %arg5[%sub3A_389, %dma_start3A_390] : memref<2x16384xi32, #tpu.memory_space<vmem>> -> memref<1x16384xi32, #tpu.memory_space<vmem>>
    %dma_start3A_392 = tpu.memref_squeeze %dma_start3A_391 : memref<1x16384xi32, #tpu.memory_space<vmem>> -> memref<16384xi32, #tpu.memory_space<vmem>>
    %dma_start3A_393 = arith.constant 0 : i32
    %dma_start3A_394 = tpu.memref_slice %arg2[%select_n3A_385, %sub3A_388, %dma_start3A_393] : memref<26x16x100001xf32, #tpu.memory_space<hbm>> -> memref<1x1x100001xf32, #tpu.memory_space<hbm>>
    %dma_start3A_395 = tpu.memref_squeeze %dma_start3A_394 : memref<1x1x100001xf32, #tpu.memory_space<hbm>> -> memref<100001xf32, #tpu.memory_space<hbm>>
    %dma_start3A_396 = arith.constant 0 : i32
    %dma_start3A_397 = tpu.memref_slice %dma_start3A_395[%dma_start3A_396] : memref<100001xf32, #tpu.memory_space<hbm>> -> memref<100001xf32, #tpu.memory_space<hbm>>
    tpu.enqueue_indirect_dma source(%dma_start3A_397 : memref<100001xf32, #tpu.memory_space<hbm>>) target(%arg7 : memref<16384xf32, #tpu.memory_space<vmem>>) offsets(%dma_start3A_392 : memref<16384xi32, #tpu.memory_space<vmem>>) semaphore(%arg9 : memref<!tpu.dma_semaphore, #tpu.memory_space<semaphore_mem>>)
    %jit3A_398 = arith.constant 16 : i32
    %div3A_399 = arith.divsi %add3A_359, %jit3A_398 : i32
    %sign3A_400 = arith.constant 0 : i32
    %sign3A_401 = arith.cmpi sgt, %add3A_359, %sign3A_400 : i32
    %sign3A_402 = arith.extui %sign3A_401 : i1 to i32
    %sign3A_403 = arith.constant 0 : i32
    %sign3A_404 = arith.cmpi slt, %add3A_359, %sign3A_403 : i32
    %sign3A_405 = arith.extui %sign3A_404 : i1 to i32
    %sign3A_406 = arith.subi %sign3A_402, %sign3A_405 : i32
    %sign3A_407 = arith.constant 0 : i32
    %sign3A_408 = arith.cmpi sgt, %jit3A_398, %sign3A_407 : i32
    %sign3A_409 = arith.extui %sign3A_408 : i1 to i32
    %sign3A_410 = arith.constant 0 : i32
    %sign3A_411 = arith.cmpi slt, %jit3A_398, %sign3A_410 : i32
    %sign3A_412 = arith.extui %sign3A_411 : i1 to i32
    %sign3A_413 = arith.subi %sign3A_409, %sign3A_412 : i32
    %ne3A_414 = arith.cmpi ne, %sign3A_406, %sign3A_413 : i32
    %rem3A_415 = arith.remsi %add3A_359, %jit3A_398 : i32
    %ne3A_416 = arith.constant 0 : i32
    %ne3A_417 = arith.cmpi ne, %rem3A_415, %ne3A_416 : i32
    %and3A_418 = arith.andi %ne3A_414, %ne3A_417 : i1
    %sub3A_419 = arith.constant 1 : i32
    %sub3A_420 = arith.subi %div3A_399, %sub3A_419 : i32
    %select_n3A_421 = arith.select %and3A_418, %sub3A_420, %div3A_399 : i32
    %mul3A_422 = arith.constant 16 : i32
    %mul3A_423 = arith.muli %select_n3A_421, %mul3A_422 : i32
    %sub3A_424 = arith.subi %add3A_359, %mul3A_423 : i32
    %sub3A_425 = arith.subi %select_n3A_421, %min3A_19 : i32
    %dma_wait3A_426 = arith.constant 0 : i32
    %dma_wait3A_427 = tpu.memref_slice %arg5[%sub3A_425, %dma_wait3A_426] : memref<2x16384xi32, #tpu.memory_space<vmem>> -> memref<1x16384xi32, #tpu.memory_space<vmem>>
    %dma_wait3A_428 = tpu.memref_squeeze %dma_wait3A_427 : memref<1x16384xi32, #tpu.memory_space<vmem>> -> memref<16384xi32, #tpu.memory_space<vmem>>
    %dma_wait3A_429 = arith.constant 0 : i32
    %dma_wait3A_430 = tpu.memref_slice %arg2[%select_n3A_421, %sub3A_424, %dma_wait3A_429] : memref<26x16x100001xf32, #tpu.memory_space<hbm>> -> memref<1x1x100001xf32, #tpu.memory_space<hbm>>
    %dma_wait3A_431 = tpu.memref_squeeze %dma_wait3A_430 : memref<1x1x100001xf32, #tpu.memory_space<hbm>> -> memref<100001xf32, #tpu.memory_space<hbm>>
    %dma_wait3A_432 = arith.constant 0 : i32
    %dma_wait3A_433 = tpu.memref_slice %dma_wait3A_431[%dma_wait3A_432] : memref<100001xf32, #tpu.memory_space<hbm>> -> memref<100001xf32, #tpu.memory_space<hbm>>
    tpu.wait_indirect_dma semaphore(%arg8 : memref<!tpu.dma_semaphore, #tpu.memory_space<semaphore_mem>>) src(%dma_wait3A_433 : memref<100001xf32, #tpu.memory_space<hbm>>) dst(%arg6 : memref<16384xf32, #tpu.memory_space<vmem>>)
    "tpu.region"() ({
      %run_scoped3A = tpu.sem_alloc : memref<!tpu.dma_semaphore, #tpu.memory_space<semaphore_mem>>
      %dma_start3A_1004 = arith.constant 0 : i32
      %dma_start3A_1005 = tpu.memref_slice %arg4[%select_n3A_421, %sub3A_424, %dma_start3A_1004] : memref<26x16x16384xf32, #tpu.memory_space<hbm>> -> memref<1x1x16384xf32, #tpu.memory_space<hbm>>
      %dma_start3A_1006 = tpu.memref_squeeze %dma_start3A_1005 : memref<1x1x16384xf32, #tpu.memory_space<hbm>> -> memref<16384xf32, #tpu.memory_space<hbm>>
      %dma_start3A_1007 = arith.constant 0 : i32
      %dma_start3A_1008 = tpu.memref_slice %arg4[%select_n3A_421, %sub3A_424, %dma_start3A_1007] : memref<26x16x16384xf32, #tpu.memory_space<hbm>> -> memref<1x1x16384xf32, #tpu.memory_space<hbm>>
      %dma_start3A_1009 = tpu.memref_squeeze %dma_start3A_1008 : memref<1x1x16384xf32, #tpu.memory_space<hbm>> -> memref<16384xf32, #tpu.memory_space<hbm>>
      tpu.enqueue_dma source(%arg6 : memref<16384xf32, #tpu.memory_space<vmem>>) target(%dma_start3A_1009 : memref<16384xf32, #tpu.memory_space<hbm>>) target_semaphore(%run_scoped3A : memref<!tpu.dma_semaphore, #tpu.memory_space<semaphore_mem>>)
      %dma_wait3A_1010 = arith.constant 0 : i32
      %dma_wait3A_1011 = tpu.memref_slice %arg4[%select_n3A_421, %sub3A_424, %dma_wait3A_1010] : memref<26x16x16384xf32, #tpu.memory_space<hbm>> -> memref<1x1x16384xf32, #tpu.memory_space<hbm>>
      %dma_wait3A_1012 = tpu.memref_squeeze %dma_wait3A_1011 : memref<1x1x16384xf32, #tpu.memory_space<hbm>> -> memref<16384xf32, #tpu.memory_space<hbm>>
      %dma_wait3A_1013 = arith.constant 0 : i32
      %dma_wait3A_1014 = tpu.memref_slice %arg4[%select_n3A_421, %sub3A_424, %dma_wait3A_1013] : memref<26x16x16384xf32, #tpu.memory_space<hbm>> -> memref<1x1x16384xf32, #tpu.memory_space<hbm>>
      %dma_wait3A_1015 = tpu.memref_squeeze %dma_wait3A_1014 : memref<1x1x16384xf32, #tpu.memory_space<hbm>> -> memref<16384xf32, #tpu.memory_space<hbm>>
      tpu.wait_dma2 semaphore(%run_scoped3A : memref<!tpu.dma_semaphore, #tpu.memory_space<semaphore_mem>>) src(%arg6 : memref<16384xf32, #tpu.memory_space<vmem>>) dst(%dma_wait3A_1015 : memref<16384xf32, #tpu.memory_space<hbm>>)
      tpu.yield
    }) : () -> ()
    %add3A_434 = arith.constant 5 : i32
    %add3A_435 = arith.addi %mul3A_2, %add3A_434 : i32
    %add3A_436 = arith.constant 1 : i32
    %add3A_437 = arith.addi %add3A_435, %add3A_436 : i32
    %jit3A_438 = arith.constant 16 : i32
    %div3A_439 = arith.divsi %add3A_437, %jit3A_438 : i32
    %sign3A_440 = arith.constant 0 : i32
    %sign3A_441 = arith.cmpi sgt, %add3A_437, %sign3A_440 : i32
    %sign3A_442 = arith.extui %sign3A_441 : i1 to i32
    %sign3A_443 = arith.constant 0 : i32
    %sign3A_444 = arith.cmpi slt, %add3A_437, %sign3A_443 : i32
    %sign3A_445 = arith.extui %sign3A_444 : i1 to i32
    %sign3A_446 = arith.subi %sign3A_442, %sign3A_445 : i32
    %sign3A_447 = arith.constant 0 : i32
    %sign3A_448 = arith.cmpi sgt, %jit3A_438, %sign3A_447 : i32
    %sign3A_449 = arith.extui %sign3A_448 : i1 to i32
    %sign3A_450 = arith.constant 0 : i32
    %sign3A_451 = arith.cmpi slt, %jit3A_438, %sign3A_450 : i32
    %sign3A_452 = arith.extui %sign3A_451 : i1 to i32
    %sign3A_453 = arith.subi %sign3A_449, %sign3A_452 : i32
    %ne3A_454 = arith.cmpi ne, %sign3A_446, %sign3A_453 : i32
    %rem3A_455 = arith.remsi %add3A_437, %jit3A_438 : i32
    %ne3A_456 = arith.constant 0 : i32
    %ne3A_457 = arith.cmpi ne, %rem3A_455, %ne3A_456 : i32
    %and3A_458 = arith.andi %ne3A_454, %ne3A_457 : i1
    %sub3A_459 = arith.constant 1 : i32
    %sub3A_460 = arith.subi %div3A_439, %sub3A_459 : i32
    %select_n3A_461 = arith.select %and3A_458, %sub3A_460, %div3A_439 : i32
    %mul3A_462 = arith.constant 16 : i32
    %mul3A_463 = arith.muli %select_n3A_461, %mul3A_462 : i32
    %sub3A_464 = arith.subi %add3A_437, %mul3A_463 : i32
    %sub3A_465 = arith.subi %select_n3A_461, %min3A_19 : i32
    %dma_start3A_466 = arith.constant 0 : i32
    %dma_start3A_467 = tpu.memref_slice %arg5[%sub3A_465, %dma_start3A_466] : memref<2x16384xi32, #tpu.memory_space<vmem>> -> memref<1x16384xi32, #tpu.memory_space<vmem>>
    %dma_start3A_468 = tpu.memref_squeeze %dma_start3A_467 : memref<1x16384xi32, #tpu.memory_space<vmem>> -> memref<16384xi32, #tpu.memory_space<vmem>>
    %dma_start3A_469 = arith.constant 0 : i32
    %dma_start3A_470 = tpu.memref_slice %arg2[%select_n3A_461, %sub3A_464, %dma_start3A_469] : memref<26x16x100001xf32, #tpu.memory_space<hbm>> -> memref<1x1x100001xf32, #tpu.memory_space<hbm>>
    %dma_start3A_471 = tpu.memref_squeeze %dma_start3A_470 : memref<1x1x100001xf32, #tpu.memory_space<hbm>> -> memref<100001xf32, #tpu.memory_space<hbm>>
    %dma_start3A_472 = arith.constant 0 : i32
    %dma_start3A_473 = tpu.memref_slice %dma_start3A_471[%dma_start3A_472] : memref<100001xf32, #tpu.memory_space<hbm>> -> memref<100001xf32, #tpu.memory_space<hbm>>
    tpu.enqueue_indirect_dma source(%dma_start3A_473 : memref<100001xf32, #tpu.memory_space<hbm>>) target(%arg6 : memref<16384xf32, #tpu.memory_space<vmem>>) offsets(%dma_start3A_468 : memref<16384xi32, #tpu.memory_space<vmem>>) semaphore(%arg8 : memref<!tpu.dma_semaphore, #tpu.memory_space<semaphore_mem>>)
    %jit3A_474 = arith.constant 16 : i32
    %div3A_475 = arith.divsi %add3A_435, %jit3A_474 : i32
    %sign3A_476 = arith.constant 0 : i32
    %sign3A_477 = arith.cmpi sgt, %add3A_435, %sign3A_476 : i32
    %sign3A_478 = arith.extui %sign3A_477 : i1 to i32
    %sign3A_479 = arith.constant 0 : i32
    %sign3A_480 = arith.cmpi slt, %add3A_435, %sign3A_479 : i32
    %sign3A_481 = arith.extui %sign3A_480 : i1 to i32
    %sign3A_482 = arith.subi %sign3A_478, %sign3A_481 : i32
    %sign3A_483 = arith.constant 0 : i32
    %sign3A_484 = arith.cmpi sgt, %jit3A_474, %sign3A_483 : i32
    %sign3A_485 = arith.extui %sign3A_484 : i1 to i32
    %sign3A_486 = arith.constant 0 : i32
    %sign3A_487 = arith.cmpi slt, %jit3A_474, %sign3A_486 : i32
    %sign3A_488 = arith.extui %sign3A_487 : i1 to i32
    %sign3A_489 = arith.subi %sign3A_485, %sign3A_488 : i32
    %ne3A_490 = arith.cmpi ne, %sign3A_482, %sign3A_489 : i32
    %rem3A_491 = arith.remsi %add3A_435, %jit3A_474 : i32
    %ne3A_492 = arith.constant 0 : i32
    %ne3A_493 = arith.cmpi ne, %rem3A_491, %ne3A_492 : i32
    %and3A_494 = arith.andi %ne3A_490, %ne3A_493 : i1
    %sub3A_495 = arith.constant 1 : i32
    %sub3A_496 = arith.subi %div3A_475, %sub3A_495 : i32
    %select_n3A_497 = arith.select %and3A_494, %sub3A_496, %div3A_475 : i32
    %mul3A_498 = arith.constant 16 : i32
    %mul3A_499 = arith.muli %select_n3A_497, %mul3A_498 : i32
    %sub3A_500 = arith.subi %add3A_435, %mul3A_499 : i32
    %sub3A_501 = arith.subi %select_n3A_497, %min3A_19 : i32
    %dma_wait3A_502 = arith.constant 0 : i32
    %dma_wait3A_503 = tpu.memref_slice %arg5[%sub3A_501, %dma_wait3A_502] : memref<2x16384xi32, #tpu.memory_space<vmem>> -> memref<1x16384xi32, #tpu.memory_space<vmem>>
    %dma_wait3A_504 = tpu.memref_squeeze %dma_wait3A_503 : memref<1x16384xi32, #tpu.memory_space<vmem>> -> memref<16384xi32, #tpu.memory_space<vmem>>
    %dma_wait3A_505 = arith.constant 0 : i32
    %dma_wait3A_506 = tpu.memref_slice %arg2[%select_n3A_497, %sub3A_500, %dma_wait3A_505] : memref<26x16x100001xf32, #tpu.memory_space<hbm>> -> memref<1x1x100001xf32, #tpu.memory_space<hbm>>
    %dma_wait3A_507 = tpu.memref_squeeze %dma_wait3A_506 : memref<1x1x100001xf32, #tpu.memory_space<hbm>> -> memref<100001xf32, #tpu.memory_space<hbm>>
    %dma_wait3A_508 = arith.constant 0 : i32
    %dma_wait3A_509 = tpu.memref_slice %dma_wait3A_507[%dma_wait3A_508] : memref<100001xf32, #tpu.memory_space<hbm>> -> memref<100001xf32, #tpu.memory_space<hbm>>
    tpu.wait_indirect_dma semaphore(%arg9 : memref<!tpu.dma_semaphore, #tpu.memory_space<semaphore_mem>>) src(%dma_wait3A_509 : memref<100001xf32, #tpu.memory_space<hbm>>) dst(%arg7 : memref<16384xf32, #tpu.memory_space<vmem>>)
    "tpu.region"() ({
      %run_scoped3A = tpu.sem_alloc : memref<!tpu.dma_semaphore, #tpu.memory_space<semaphore_mem>>
      %dma_start3A_1004 = arith.constant 0 : i32
      %dma_start3A_1005 = tpu.memref_slice %arg4[%select_n3A_497, %sub3A_500, %dma_start3A_1004] : memref<26x16x16384xf32, #tpu.memory_space<hbm>> -> memref<1x1x16384xf32, #tpu.memory_space<hbm>>
      %dma_start3A_1006 = tpu.memref_squeeze %dma_start3A_1005 : memref<1x1x16384xf32, #tpu.memory_space<hbm>> -> memref<16384xf32, #tpu.memory_space<hbm>>
      %dma_start3A_1007 = arith.constant 0 : i32
      %dma_start3A_1008 = tpu.memref_slice %arg4[%select_n3A_497, %sub3A_500, %dma_start3A_1007] : memref<26x16x16384xf32, #tpu.memory_space<hbm>> -> memref<1x1x16384xf32, #tpu.memory_space<hbm>>
      %dma_start3A_1009 = tpu.memref_squeeze %dma_start3A_1008 : memref<1x1x16384xf32, #tpu.memory_space<hbm>> -> memref<16384xf32, #tpu.memory_space<hbm>>
      tpu.enqueue_dma source(%arg7 : memref<16384xf32, #tpu.memory_space<vmem>>) target(%dma_start3A_1009 : memref<16384xf32, #tpu.memory_space<hbm>>) target_semaphore(%run_scoped3A : memref<!tpu.dma_semaphore, #tpu.memory_space<semaphore_mem>>)
      %dma_wait3A_1010 = arith.constant 0 : i32
      %dma_wait3A_1011 = tpu.memref_slice %arg4[%select_n3A_497, %sub3A_500, %dma_wait3A_1010] : memref<26x16x16384xf32, #tpu.memory_space<hbm>> -> memref<1x1x16384xf32, #tpu.memory_space<hbm>>
      %dma_wait3A_1012 = tpu.memref_squeeze %dma_wait3A_1011 : memref<1x1x16384xf32, #tpu.memory_space<hbm>> -> memref<16384xf32, #tpu.memory_space<hbm>>
      %dma_wait3A_1013 = arith.constant 0 : i32
      %dma_wait3A_1014 = tpu.memref_slice %arg4[%select_n3A_497, %sub3A_500, %dma_wait3A_1013] : memref<26x16x16384xf32, #tpu.memory_space<hbm>> -> memref<1x1x16384xf32, #tpu.memory_space<hbm>>
      %dma_wait3A_1015 = tpu.memref_squeeze %dma_wait3A_1014 : memref<1x1x16384xf32, #tpu.memory_space<hbm>> -> memref<16384xf32, #tpu.memory_space<hbm>>
      tpu.wait_dma2 semaphore(%run_scoped3A : memref<!tpu.dma_semaphore, #tpu.memory_space<semaphore_mem>>) src(%arg7 : memref<16384xf32, #tpu.memory_space<vmem>>) dst(%dma_wait3A_1015 : memref<16384xf32, #tpu.memory_space<hbm>>)
      tpu.yield
    }) : () -> ()
    %add3A_510 = arith.constant 6 : i32
    %add3A_511 = arith.addi %mul3A_2, %add3A_510 : i32
    %add3A_512 = arith.constant 1 : i32
    %add3A_513 = arith.addi %add3A_511, %add3A_512 : i32
    %jit3A_514 = arith.constant 16 : i32
    %div3A_515 = arith.divsi %add3A_513, %jit3A_514 : i32
    %sign3A_516 = arith.constant 0 : i32
    %sign3A_517 = arith.cmpi sgt, %add3A_513, %sign3A_516 : i32
    %sign3A_518 = arith.extui %sign3A_517 : i1 to i32
    %sign3A_519 = arith.constant 0 : i32
    %sign3A_520 = arith.cmpi slt, %add3A_513, %sign3A_519 : i32
    %sign3A_521 = arith.extui %sign3A_520 : i1 to i32
    %sign3A_522 = arith.subi %sign3A_518, %sign3A_521 : i32
    %sign3A_523 = arith.constant 0 : i32
    %sign3A_524 = arith.cmpi sgt, %jit3A_514, %sign3A_523 : i32
    %sign3A_525 = arith.extui %sign3A_524 : i1 to i32
    %sign3A_526 = arith.constant 0 : i32
    %sign3A_527 = arith.cmpi slt, %jit3A_514, %sign3A_526 : i32
    %sign3A_528 = arith.extui %sign3A_527 : i1 to i32
    %sign3A_529 = arith.subi %sign3A_525, %sign3A_528 : i32
    %ne3A_530 = arith.cmpi ne, %sign3A_522, %sign3A_529 : i32
    %rem3A_531 = arith.remsi %add3A_513, %jit3A_514 : i32
    %ne3A_532 = arith.constant 0 : i32
    %ne3A_533 = arith.cmpi ne, %rem3A_531, %ne3A_532 : i32
    %and3A_534 = arith.andi %ne3A_530, %ne3A_533 : i1
    %sub3A_535 = arith.constant 1 : i32
    %sub3A_536 = arith.subi %div3A_515, %sub3A_535 : i32
    %select_n3A_537 = arith.select %and3A_534, %sub3A_536, %div3A_515 : i32
    %mul3A_538 = arith.constant 16 : i32
    %mul3A_539 = arith.muli %select_n3A_537, %mul3A_538 : i32
    %sub3A_540 = arith.subi %add3A_513, %mul3A_539 : i32
    %sub3A_541 = arith.subi %select_n3A_537, %min3A_19 : i32
    %dma_start3A_542 = arith.constant 0 : i32
    %dma_start3A_543 = tpu.memref_slice %arg5[%sub3A_541, %dma_start3A_542] : memref<2x16384xi32, #tpu.memory_space<vmem>> -> memref<1x16384xi32, #tpu.memory_space<vmem>>
    %dma_start3A_544 = tpu.memref_squeeze %dma_start3A_543 : memref<1x16384xi32, #tpu.memory_space<vmem>> -> memref<16384xi32, #tpu.memory_space<vmem>>
    %dma_start3A_545 = arith.constant 0 : i32
    %dma_start3A_546 = tpu.memref_slice %arg2[%select_n3A_537, %sub3A_540, %dma_start3A_545] : memref<26x16x100001xf32, #tpu.memory_space<hbm>> -> memref<1x1x100001xf32, #tpu.memory_space<hbm>>
    %dma_start3A_547 = tpu.memref_squeeze %dma_start3A_546 : memref<1x1x100001xf32, #tpu.memory_space<hbm>> -> memref<100001xf32, #tpu.memory_space<hbm>>
    %dma_start3A_548 = arith.constant 0 : i32
    %dma_start3A_549 = tpu.memref_slice %dma_start3A_547[%dma_start3A_548] : memref<100001xf32, #tpu.memory_space<hbm>> -> memref<100001xf32, #tpu.memory_space<hbm>>
    tpu.enqueue_indirect_dma source(%dma_start3A_549 : memref<100001xf32, #tpu.memory_space<hbm>>) target(%arg7 : memref<16384xf32, #tpu.memory_space<vmem>>) offsets(%dma_start3A_544 : memref<16384xi32, #tpu.memory_space<vmem>>) semaphore(%arg9 : memref<!tpu.dma_semaphore, #tpu.memory_space<semaphore_mem>>)
    %jit3A_550 = arith.constant 16 : i32
    %div3A_551 = arith.divsi %add3A_511, %jit3A_550 : i32
    %sign3A_552 = arith.constant 0 : i32
    %sign3A_553 = arith.cmpi sgt, %add3A_511, %sign3A_552 : i32
    %sign3A_554 = arith.extui %sign3A_553 : i1 to i32
    %sign3A_555 = arith.constant 0 : i32
    %sign3A_556 = arith.cmpi slt, %add3A_511, %sign3A_555 : i32
    %sign3A_557 = arith.extui %sign3A_556 : i1 to i32
    %sign3A_558 = arith.subi %sign3A_554, %sign3A_557 : i32
    %sign3A_559 = arith.constant 0 : i32
    %sign3A_560 = arith.cmpi sgt, %jit3A_550, %sign3A_559 : i32
    %sign3A_561 = arith.extui %sign3A_560 : i1 to i32
    %sign3A_562 = arith.constant 0 : i32
    %sign3A_563 = arith.cmpi slt, %jit3A_550, %sign3A_562 : i32
    %sign3A_564 = arith.extui %sign3A_563 : i1 to i32
    %sign3A_565 = arith.subi %sign3A_561, %sign3A_564 : i32
    %ne3A_566 = arith.cmpi ne, %sign3A_558, %sign3A_565 : i32
    %rem3A_567 = arith.remsi %add3A_511, %jit3A_550 : i32
    %ne3A_568 = arith.constant 0 : i32
    %ne3A_569 = arith.cmpi ne, %rem3A_567, %ne3A_568 : i32
    %and3A_570 = arith.andi %ne3A_566, %ne3A_569 : i1
    %sub3A_571 = arith.constant 1 : i32
    %sub3A_572 = arith.subi %div3A_551, %sub3A_571 : i32
    %select_n3A_573 = arith.select %and3A_570, %sub3A_572, %div3A_551 : i32
    %mul3A_574 = arith.constant 16 : i32
    %mul3A_575 = arith.muli %select_n3A_573, %mul3A_574 : i32
    %sub3A_576 = arith.subi %add3A_511, %mul3A_575 : i32
    %sub3A_577 = arith.subi %select_n3A_573, %min3A_19 : i32
    %dma_wait3A_578 = arith.constant 0 : i32
    %dma_wait3A_579 = tpu.memref_slice %arg5[%sub3A_577, %dma_wait3A_578] : memref<2x16384xi32, #tpu.memory_space<vmem>> -> memref<1x16384xi32, #tpu.memory_space<vmem>>
    %dma_wait3A_580 = tpu.memref_squeeze %dma_wait3A_579 : memref<1x16384xi32, #tpu.memory_space<vmem>> -> memref<16384xi32, #tpu.memory_space<vmem>>
    %dma_wait3A_581 = arith.constant 0 : i32
    %dma_wait3A_582 = tpu.memref_slice %arg2[%select_n3A_573, %sub3A_576, %dma_wait3A_581] : memref<26x16x100001xf32, #tpu.memory_space<hbm>> -> memref<1x1x100001xf32, #tpu.memory_space<hbm>>
    %dma_wait3A_583 = tpu.memref_squeeze %dma_wait3A_582 : memref<1x1x100001xf32, #tpu.memory_space<hbm>> -> memref<100001xf32, #tpu.memory_space<hbm>>
    %dma_wait3A_584 = arith.constant 0 : i32
    %dma_wait3A_585 = tpu.memref_slice %dma_wait3A_583[%dma_wait3A_584] : memref<100001xf32, #tpu.memory_space<hbm>> -> memref<100001xf32, #tpu.memory_space<hbm>>
    tpu.wait_indirect_dma semaphore(%arg8 : memref<!tpu.dma_semaphore, #tpu.memory_space<semaphore_mem>>) src(%dma_wait3A_585 : memref<100001xf32, #tpu.memory_space<hbm>>) dst(%arg6 : memref<16384xf32, #tpu.memory_space<vmem>>)
    "tpu.region"() ({
      %run_scoped3A = tpu.sem_alloc : memref<!tpu.dma_semaphore, #tpu.memory_space<semaphore_mem>>
      %dma_start3A_1004 = arith.constant 0 : i32
      %dma_start3A_1005 = tpu.memref_slice %arg4[%select_n3A_573, %sub3A_576, %dma_start3A_1004] : memref<26x16x16384xf32, #tpu.memory_space<hbm>> -> memref<1x1x16384xf32, #tpu.memory_space<hbm>>
      %dma_start3A_1006 = tpu.memref_squeeze %dma_start3A_1005 : memref<1x1x16384xf32, #tpu.memory_space<hbm>> -> memref<16384xf32, #tpu.memory_space<hbm>>
      %dma_start3A_1007 = arith.constant 0 : i32
      %dma_start3A_1008 = tpu.memref_slice %arg4[%select_n3A_573, %sub3A_576, %dma_start3A_1007] : memref<26x16x16384xf32, #tpu.memory_space<hbm>> -> memref<1x1x16384xf32, #tpu.memory_space<hbm>>
      %dma_start3A_1009 = tpu.memref_squeeze %dma_start3A_1008 : memref<1x1x16384xf32, #tpu.memory_space<hbm>> -> memref<16384xf32, #tpu.memory_space<hbm>>
      tpu.enqueue_dma source(%arg6 : memref<16384xf32, #tpu.memory_space<vmem>>) target(%dma_start3A_1009 : memref<16384xf32, #tpu.memory_space<hbm>>) target_semaphore(%run_scoped3A : memref<!tpu.dma_semaphore, #tpu.memory_space<semaphore_mem>>)
      %dma_wait3A_1010 = arith.constant 0 : i32
      %dma_wait3A_1011 = tpu.memref_slice %arg4[%select_n3A_573, %sub3A_576, %dma_wait3A_1010] : memref<26x16x16384xf32, #tpu.memory_space<hbm>> -> memref<1x1x16384xf32, #tpu.memory_space<hbm>>
      %dma_wait3A_1012 = tpu.memref_squeeze %dma_wait3A_1011 : memref<1x1x16384xf32, #tpu.memory_space<hbm>> -> memref<16384xf32, #tpu.memory_space<hbm>>
      %dma_wait3A_1013 = arith.constant 0 : i32
      %dma_wait3A_1014 = tpu.memref_slice %arg4[%select_n3A_573, %sub3A_576, %dma_wait3A_1013] : memref<26x16x16384xf32, #tpu.memory_space<hbm>> -> memref<1x1x16384xf32, #tpu.memory_space<hbm>>
      %dma_wait3A_1015 = tpu.memref_squeeze %dma_wait3A_1014 : memref<1x1x16384xf32, #tpu.memory_space<hbm>> -> memref<16384xf32, #tpu.memory_space<hbm>>
      tpu.wait_dma2 semaphore(%run_scoped3A : memref<!tpu.dma_semaphore, #tpu.memory_space<semaphore_mem>>) src(%arg6 : memref<16384xf32, #tpu.memory_space<vmem>>) dst(%dma_wait3A_1015 : memref<16384xf32, #tpu.memory_space<hbm>>)
      tpu.yield
    }) : () -> ()
    %add3A_586 = arith.constant 7 : i32
    %add3A_587 = arith.addi %mul3A_2, %add3A_586 : i32
    %add3A_588 = arith.constant 1 : i32
    %add3A_589 = arith.addi %add3A_587, %add3A_588 : i32
    %jit3A_590 = arith.constant 16 : i32
    %div3A_591 = arith.divsi %add3A_589, %jit3A_590 : i32
    %sign3A_592 = arith.constant 0 : i32
    %sign3A_593 = arith.cmpi sgt, %add3A_589, %sign3A_592 : i32
    %sign3A_594 = arith.extui %sign3A_593 : i1 to i32
    %sign3A_595 = arith.constant 0 : i32
    %sign3A_596 = arith.cmpi slt, %add3A_589, %sign3A_595 : i32
    %sign3A_597 = arith.extui %sign3A_596 : i1 to i32
    %sign3A_598 = arith.subi %sign3A_594, %sign3A_597 : i32
    %sign3A_599 = arith.constant 0 : i32
    %sign3A_600 = arith.cmpi sgt, %jit3A_590, %sign3A_599 : i32
    %sign3A_601 = arith.extui %sign3A_600 : i1 to i32
    %sign3A_602 = arith.constant 0 : i32
    %sign3A_603 = arith.cmpi slt, %jit3A_590, %sign3A_602 : i32
    %sign3A_604 = arith.extui %sign3A_603 : i1 to i32
    %sign3A_605 = arith.subi %sign3A_601, %sign3A_604 : i32
    %ne3A_606 = arith.cmpi ne, %sign3A_598, %sign3A_605 : i32
    %rem3A_607 = arith.remsi %add3A_589, %jit3A_590 : i32
    %ne3A_608 = arith.constant 0 : i32
    %ne3A_609 = arith.cmpi ne, %rem3A_607, %ne3A_608 : i32
    %and3A_610 = arith.andi %ne3A_606, %ne3A_609 : i1
    %sub3A_611 = arith.constant 1 : i32
    %sub3A_612 = arith.subi %div3A_591, %sub3A_611 : i32
    %select_n3A_613 = arith.select %and3A_610, %sub3A_612, %div3A_591 : i32
    %mul3A_614 = arith.constant 16 : i32
    %mul3A_615 = arith.muli %select_n3A_613, %mul3A_614 : i32
    %sub3A_616 = arith.subi %add3A_589, %mul3A_615 : i32
    %sub3A_617 = arith.subi %select_n3A_613, %min3A_19 : i32
    %dma_start3A_618 = arith.constant 0 : i32
    %dma_start3A_619 = tpu.memref_slice %arg5[%sub3A_617, %dma_start3A_618] : memref<2x16384xi32, #tpu.memory_space<vmem>> -> memref<1x16384xi32, #tpu.memory_space<vmem>>
    %dma_start3A_620 = tpu.memref_squeeze %dma_start3A_619 : memref<1x16384xi32, #tpu.memory_space<vmem>> -> memref<16384xi32, #tpu.memory_space<vmem>>
    %dma_start3A_621 = arith.constant 0 : i32
    %dma_start3A_622 = tpu.memref_slice %arg2[%select_n3A_613, %sub3A_616, %dma_start3A_621] : memref<26x16x100001xf32, #tpu.memory_space<hbm>> -> memref<1x1x100001xf32, #tpu.memory_space<hbm>>
    %dma_start3A_623 = tpu.memref_squeeze %dma_start3A_622 : memref<1x1x100001xf32, #tpu.memory_space<hbm>> -> memref<100001xf32, #tpu.memory_space<hbm>>
    %dma_start3A_624 = arith.constant 0 : i32
    %dma_start3A_625 = tpu.memref_slice %dma_start3A_623[%dma_start3A_624] : memref<100001xf32, #tpu.memory_space<hbm>> -> memref<100001xf32, #tpu.memory_space<hbm>>
    tpu.enqueue_indirect_dma source(%dma_start3A_625 : memref<100001xf32, #tpu.memory_space<hbm>>) target(%arg6 : memref<16384xf32, #tpu.memory_space<vmem>>) offsets(%dma_start3A_620 : memref<16384xi32, #tpu.memory_space<vmem>>) semaphore(%arg8 : memref<!tpu.dma_semaphore, #tpu.memory_space<semaphore_mem>>)
    %jit3A_626 = arith.constant 16 : i32
    %div3A_627 = arith.divsi %add3A_587, %jit3A_626 : i32
    %sign3A_628 = arith.constant 0 : i32
    %sign3A_629 = arith.cmpi sgt, %add3A_587, %sign3A_628 : i32
    %sign3A_630 = arith.extui %sign3A_629 : i1 to i32
    %sign3A_631 = arith.constant 0 : i32
    %sign3A_632 = arith.cmpi slt, %add3A_587, %sign3A_631 : i32
    %sign3A_633 = arith.extui %sign3A_632 : i1 to i32
    %sign3A_634 = arith.subi %sign3A_630, %sign3A_633 : i32
    %sign3A_635 = arith.constant 0 : i32
    %sign3A_636 = arith.cmpi sgt, %jit3A_626, %sign3A_635 : i32
    %sign3A_637 = arith.extui %sign3A_636 : i1 to i32
    %sign3A_638 = arith.constant 0 : i32
    %sign3A_639 = arith.cmpi slt, %jit3A_626, %sign3A_638 : i32
    %sign3A_640 = arith.extui %sign3A_639 : i1 to i32
    %sign3A_641 = arith.subi %sign3A_637, %sign3A_640 : i32
    %ne3A_642 = arith.cmpi ne, %sign3A_634, %sign3A_641 : i32
    %rem3A_643 = arith.remsi %add3A_587, %jit3A_626 : i32
    %ne3A_644 = arith.constant 0 : i32
    %ne3A_645 = arith.cmpi ne, %rem3A_643, %ne3A_644 : i32
    %and3A_646 = arith.andi %ne3A_642, %ne3A_645 : i1
    %sub3A_647 = arith.constant 1 : i32
    %sub3A_648 = arith.subi %div3A_627, %sub3A_647 : i32
    %select_n3A_649 = arith.select %and3A_646, %sub3A_648, %div3A_627 : i32
    %mul3A_650 = arith.constant 16 : i32
    %mul3A_651 = arith.muli %select_n3A_649, %mul3A_650 : i32
    %sub3A_652 = arith.subi %add3A_587, %mul3A_651 : i32
    %sub3A_653 = arith.subi %select_n3A_649, %min3A_19 : i32
    %dma_wait3A_654 = arith.constant 0 : i32
    %dma_wait3A_655 = tpu.memref_slice %arg5[%sub3A_653, %dma_wait3A_654] : memref<2x16384xi32, #tpu.memory_space<vmem>> -> memref<1x16384xi32, #tpu.memory_space<vmem>>
    %dma_wait3A_656 = tpu.memref_squeeze %dma_wait3A_655 : memref<1x16384xi32, #tpu.memory_space<vmem>> -> memref<16384xi32, #tpu.memory_space<vmem>>
    %dma_wait3A_657 = arith.constant 0 : i32
    %dma_wait3A_658 = tpu.memref_slice %arg2[%select_n3A_649, %sub3A_652, %dma_wait3A_657] : memref<26x16x100001xf32, #tpu.memory_space<hbm>> -> memref<1x1x100001xf32, #tpu.memory_space<hbm>>
    %dma_wait3A_659 = tpu.memref_squeeze %dma_wait3A_658 : memref<1x1x100001xf32, #tpu.memory_space<hbm>> -> memref<100001xf32, #tpu.memory_space<hbm>>
    %dma_wait3A_660 = arith.constant 0 : i32
    %dma_wait3A_661 = tpu.memref_slice %dma_wait3A_659[%dma_wait3A_660] : memref<100001xf32, #tpu.memory_space<hbm>> -> memref<100001xf32, #tpu.memory_space<hbm>>
    tpu.wait_indirect_dma semaphore(%arg9 : memref<!tpu.dma_semaphore, #tpu.memory_space<semaphore_mem>>) src(%dma_wait3A_661 : memref<100001xf32, #tpu.memory_space<hbm>>) dst(%arg7 : memref<16384xf32, #tpu.memory_space<vmem>>)
    "tpu.region"() ({
      %run_scoped3A = tpu.sem_alloc : memref<!tpu.dma_semaphore, #tpu.memory_space<semaphore_mem>>
      %dma_start3A_1004 = arith.constant 0 : i32
      %dma_start3A_1005 = tpu.memref_slice %arg4[%select_n3A_649, %sub3A_652, %dma_start3A_1004] : memref<26x16x16384xf32, #tpu.memory_space<hbm>> -> memref<1x1x16384xf32, #tpu.memory_space<hbm>>
      %dma_start3A_1006 = tpu.memref_squeeze %dma_start3A_1005 : memref<1x1x16384xf32, #tpu.memory_space<hbm>> -> memref<16384xf32, #tpu.memory_space<hbm>>
      %dma_start3A_1007 = arith.constant 0 : i32
      %dma_start3A_1008 = tpu.memref_slice %arg4[%select_n3A_649, %sub3A_652, %dma_start3A_1007] : memref<26x16x16384xf32, #tpu.memory_space<hbm>> -> memref<1x1x16384xf32, #tpu.memory_space<hbm>>
      %dma_start3A_1009 = tpu.memref_squeeze %dma_start3A_1008 : memref<1x1x16384xf32, #tpu.memory_space<hbm>> -> memref<16384xf32, #tpu.memory_space<hbm>>
      tpu.enqueue_dma source(%arg7 : memref<16384xf32, #tpu.memory_space<vmem>>) target(%dma_start3A_1009 : memref<16384xf32, #tpu.memory_space<hbm>>) target_semaphore(%run_scoped3A : memref<!tpu.dma_semaphore, #tpu.memory_space<semaphore_mem>>)
      %dma_wait3A_1010 = arith.constant 0 : i32
      %dma_wait3A_1011 = tpu.memref_slice %arg4[%select_n3A_649, %sub3A_652, %dma_wait3A_1010] : memref<26x16x16384xf32, #tpu.memory_space<hbm>> -> memref<1x1x16384xf32, #tpu.memory_space<hbm>>
      %dma_wait3A_1012 = tpu.memref_squeeze %dma_wait3A_1011 : memref<1x1x16384xf32, #tpu.memory_space<hbm>> -> memref<16384xf32, #tpu.memory_space<hbm>>
      %dma_wait3A_1013 = arith.constant 0 : i32
      %dma_wait3A_1014 = tpu.memref_slice %arg4[%select_n3A_649, %sub3A_652, %dma_wait3A_1013] : memref<26x16x16384xf32, #tpu.memory_space<hbm>> -> memref<1x1x16384xf32, #tpu.memory_space<hbm>>
      %dma_wait3A_1015 = tpu.memref_squeeze %dma_wait3A_1014 : memref<1x1x16384xf32, #tpu.memory_space<hbm>> -> memref<16384xf32, #tpu.memory_space<hbm>>
      tpu.wait_dma2 semaphore(%run_scoped3A : memref<!tpu.dma_semaphore, #tpu.memory_space<semaphore_mem>>) src(%arg7 : memref<16384xf32, #tpu.memory_space<vmem>>) dst(%dma_wait3A_1015 : memref<16384xf32, #tpu.memory_space<hbm>>)
      tpu.yield
    }) : () -> ()
    %add3A_662 = arith.constant 8 : i32
    %add3A_663 = arith.addi %mul3A_2, %add3A_662 : i32
    %add3A_664 = arith.constant 1 : i32
    %add3A_665 = arith.addi %add3A_663, %add3A_664 : i32
    %jit3A_666 = arith.constant 16 : i32
    %div3A_667 = arith.divsi %add3A_665, %jit3A_666 : i32
    %sign3A_668 = arith.constant 0 : i32
    %sign3A_669 = arith.cmpi sgt, %add3A_665, %sign3A_668 : i32
    %sign3A_670 = arith.extui %sign3A_669 : i1 to i32
    %sign3A_671 = arith.constant 0 : i32
    %sign3A_672 = arith.cmpi slt, %add3A_665, %sign3A_671 : i32
    %sign3A_673 = arith.extui %sign3A_672 : i1 to i32
    %sign3A_674 = arith.subi %sign3A_670, %sign3A_673 : i32
    %sign3A_675 = arith.constant 0 : i32
    %sign3A_676 = arith.cmpi sgt, %jit3A_666, %sign3A_675 : i32
    %sign3A_677 = arith.extui %sign3A_676 : i1 to i32
    %sign3A_678 = arith.constant 0 : i32
    %sign3A_679 = arith.cmpi slt, %jit3A_666, %sign3A_678 : i32
    %sign3A_680 = arith.extui %sign3A_679 : i1 to i32
    %sign3A_681 = arith.subi %sign3A_677, %sign3A_680 : i32
    %ne3A_682 = arith.cmpi ne, %sign3A_674, %sign3A_681 : i32
    %rem3A_683 = arith.remsi %add3A_665, %jit3A_666 : i32
    %ne3A_684 = arith.constant 0 : i32
    %ne3A_685 = arith.cmpi ne, %rem3A_683, %ne3A_684 : i32
    %and3A_686 = arith.andi %ne3A_682, %ne3A_685 : i1
    %sub3A_687 = arith.constant 1 : i32
    %sub3A_688 = arith.subi %div3A_667, %sub3A_687 : i32
    %select_n3A_689 = arith.select %and3A_686, %sub3A_688, %div3A_667 : i32
    %mul3A_690 = arith.constant 16 : i32
    %mul3A_691 = arith.muli %select_n3A_689, %mul3A_690 : i32
    %sub3A_692 = arith.subi %add3A_665, %mul3A_691 : i32
    %sub3A_693 = arith.subi %select_n3A_689, %min3A_19 : i32
    %dma_start3A_694 = arith.constant 0 : i32
    %dma_start3A_695 = tpu.memref_slice %arg5[%sub3A_693, %dma_start3A_694] : memref<2x16384xi32, #tpu.memory_space<vmem>> -> memref<1x16384xi32, #tpu.memory_space<vmem>>
    %dma_start3A_696 = tpu.memref_squeeze %dma_start3A_695 : memref<1x16384xi32, #tpu.memory_space<vmem>> -> memref<16384xi32, #tpu.memory_space<vmem>>
    %dma_start3A_697 = arith.constant 0 : i32
    %dma_start3A_698 = tpu.memref_slice %arg2[%select_n3A_689, %sub3A_692, %dma_start3A_697] : memref<26x16x100001xf32, #tpu.memory_space<hbm>> -> memref<1x1x100001xf32, #tpu.memory_space<hbm>>
    %dma_start3A_699 = tpu.memref_squeeze %dma_start3A_698 : memref<1x1x100001xf32, #tpu.memory_space<hbm>> -> memref<100001xf32, #tpu.memory_space<hbm>>
    %dma_start3A_700 = arith.constant 0 : i32
    %dma_start3A_701 = tpu.memref_slice %dma_start3A_699[%dma_start3A_700] : memref<100001xf32, #tpu.memory_space<hbm>> -> memref<100001xf32, #tpu.memory_space<hbm>>
    tpu.enqueue_indirect_dma source(%dma_start3A_701 : memref<100001xf32, #tpu.memory_space<hbm>>) target(%arg7 : memref<16384xf32, #tpu.memory_space<vmem>>) offsets(%dma_start3A_696 : memref<16384xi32, #tpu.memory_space<vmem>>) semaphore(%arg9 : memref<!tpu.dma_semaphore, #tpu.memory_space<semaphore_mem>>)
    %jit3A_702 = arith.constant 16 : i32
    %div3A_703 = arith.divsi %add3A_663, %jit3A_702 : i32
    %sign3A_704 = arith.constant 0 : i32
    %sign3A_705 = arith.cmpi sgt, %add3A_663, %sign3A_704 : i32
    %sign3A_706 = arith.extui %sign3A_705 : i1 to i32
    %sign3A_707 = arith.constant 0 : i32
    %sign3A_708 = arith.cmpi slt, %add3A_663, %sign3A_707 : i32
    %sign3A_709 = arith.extui %sign3A_708 : i1 to i32
    %sign3A_710 = arith.subi %sign3A_706, %sign3A_709 : i32
    %sign3A_711 = arith.constant 0 : i32
    %sign3A_712 = arith.cmpi sgt, %jit3A_702, %sign3A_711 : i32
    %sign3A_713 = arith.extui %sign3A_712 : i1 to i32
    %sign3A_714 = arith.constant 0 : i32
    %sign3A_715 = arith.cmpi slt, %jit3A_702, %sign3A_714 : i32
    %sign3A_716 = arith.extui %sign3A_715 : i1 to i32
    %sign3A_717 = arith.subi %sign3A_713, %sign3A_716 : i32
    %ne3A_718 = arith.cmpi ne, %sign3A_710, %sign3A_717 : i32
    %rem3A_719 = arith.remsi %add3A_663, %jit3A_702 : i32
    %ne3A_720 = arith.constant 0 : i32
    %ne3A_721 = arith.cmpi ne, %rem3A_719, %ne3A_720 : i32
    %and3A_722 = arith.andi %ne3A_718, %ne3A_721 : i1
    %sub3A_723 = arith.constant 1 : i32
    %sub3A_724 = arith.subi %div3A_703, %sub3A_723 : i32
    %select_n3A_725 = arith.select %and3A_722, %sub3A_724, %div3A_703 : i32
    %mul3A_726 = arith.constant 16 : i32
    %mul3A_727 = arith.muli %select_n3A_725, %mul3A_726 : i32
    %sub3A_728 = arith.subi %add3A_663, %mul3A_727 : i32
    %sub3A_729 = arith.subi %select_n3A_725, %min3A_19 : i32
    %dma_wait3A_730 = arith.constant 0 : i32
    %dma_wait3A_731 = tpu.memref_slice %arg5[%sub3A_729, %dma_wait3A_730] : memref<2x16384xi32, #tpu.memory_space<vmem>> -> memref<1x16384xi32, #tpu.memory_space<vmem>>
    %dma_wait3A_732 = tpu.memref_squeeze %dma_wait3A_731 : memref<1x16384xi32, #tpu.memory_space<vmem>> -> memref<16384xi32, #tpu.memory_space<vmem>>
    %dma_wait3A_733 = arith.constant 0 : i32
    %dma_wait3A_734 = tpu.memref_slice %arg2[%select_n3A_725, %sub3A_728, %dma_wait3A_733] : memref<26x16x100001xf32, #tpu.memory_space<hbm>> -> memref<1x1x100001xf32, #tpu.memory_space<hbm>>
    %dma_wait3A_735 = tpu.memref_squeeze %dma_wait3A_734 : memref<1x1x100001xf32, #tpu.memory_space<hbm>> -> memref<100001xf32, #tpu.memory_space<hbm>>
    %dma_wait3A_736 = arith.constant 0 : i32
    %dma_wait3A_737 = tpu.memref_slice %dma_wait3A_735[%dma_wait3A_736] : memref<100001xf32, #tpu.memory_space<hbm>> -> memref<100001xf32, #tpu.memory_space<hbm>>
    tpu.wait_indirect_dma semaphore(%arg8 : memref<!tpu.dma_semaphore, #tpu.memory_space<semaphore_mem>>) src(%dma_wait3A_737 : memref<100001xf32, #tpu.memory_space<hbm>>) dst(%arg6 : memref<16384xf32, #tpu.memory_space<vmem>>)
    "tpu.region"() ({
      %run_scoped3A = tpu.sem_alloc : memref<!tpu.dma_semaphore, #tpu.memory_space<semaphore_mem>>
      %dma_start3A_1004 = arith.constant 0 : i32
      %dma_start3A_1005 = tpu.memref_slice %arg4[%select_n3A_725, %sub3A_728, %dma_start3A_1004] : memref<26x16x16384xf32, #tpu.memory_space<hbm>> -> memref<1x1x16384xf32, #tpu.memory_space<hbm>>
      %dma_start3A_1006 = tpu.memref_squeeze %dma_start3A_1005 : memref<1x1x16384xf32, #tpu.memory_space<hbm>> -> memref<16384xf32, #tpu.memory_space<hbm>>
      %dma_start3A_1007 = arith.constant 0 : i32
      %dma_start3A_1008 = tpu.memref_slice %arg4[%select_n3A_725, %sub3A_728, %dma_start3A_1007] : memref<26x16x16384xf32, #tpu.memory_space<hbm>> -> memref<1x1x16384xf32, #tpu.memory_space<hbm>>
      %dma_start3A_1009 = tpu.memref_squeeze %dma_start3A_1008 : memref<1x1x16384xf32, #tpu.memory_space<hbm>> -> memref<16384xf32, #tpu.memory_space<hbm>>
      tpu.enqueue_dma source(%arg6 : memref<16384xf32, #tpu.memory_space<vmem>>) target(%dma_start3A_1009 : memref<16384xf32, #tpu.memory_space<hbm>>) target_semaphore(%run_scoped3A : memref<!tpu.dma_semaphore, #tpu.memory_space<semaphore_mem>>)
      %dma_wait3A_1010 = arith.constant 0 : i32
      %dma_wait3A_1011 = tpu.memref_slice %arg4[%select_n3A_725, %sub3A_728, %dma_wait3A_1010] : memref<26x16x16384xf32, #tpu.memory_space<hbm>> -> memref<1x1x16384xf32, #tpu.memory_space<hbm>>
      %dma_wait3A_1012 = tpu.memref_squeeze %dma_wait3A_1011 : memref<1x1x16384xf32, #tpu.memory_space<hbm>> -> memref<16384xf32, #tpu.memory_space<hbm>>
      %dma_wait3A_1013 = arith.constant 0 : i32
      %dma_wait3A_1014 = tpu.memref_slice %arg4[%select_n3A_725, %sub3A_728, %dma_wait3A_1013] : memref<26x16x16384xf32, #tpu.memory_space<hbm>> -> memref<1x1x16384xf32, #tpu.memory_space<hbm>>
      %dma_wait3A_1015 = tpu.memref_squeeze %dma_wait3A_1014 : memref<1x1x16384xf32, #tpu.memory_space<hbm>> -> memref<16384xf32, #tpu.memory_space<hbm>>
      tpu.wait_dma2 semaphore(%run_scoped3A : memref<!tpu.dma_semaphore, #tpu.memory_space<semaphore_mem>>) src(%arg6 : memref<16384xf32, #tpu.memory_space<vmem>>) dst(%dma_wait3A_1015 : memref<16384xf32, #tpu.memory_space<hbm>>)
      tpu.yield
    }) : () -> ()
    %add3A_738 = arith.constant 9 : i32
    %add3A_739 = arith.addi %mul3A_2, %add3A_738 : i32
    %add3A_740 = arith.constant 1 : i32
    %add3A_741 = arith.addi %add3A_739, %add3A_740 : i32
    %jit3A_742 = arith.constant 16 : i32
    %div3A_743 = arith.divsi %add3A_741, %jit3A_742 : i32
    %sign3A_744 = arith.constant 0 : i32
    %sign3A_745 = arith.cmpi sgt, %add3A_741, %sign3A_744 : i32
    %sign3A_746 = arith.extui %sign3A_745 : i1 to i32
    %sign3A_747 = arith.constant 0 : i32
    %sign3A_748 = arith.cmpi slt, %add3A_741, %sign3A_747 : i32
    %sign3A_749 = arith.extui %sign3A_748 : i1 to i32
    %sign3A_750 = arith.subi %sign3A_746, %sign3A_749 : i32
    %sign3A_751 = arith.constant 0 : i32
    %sign3A_752 = arith.cmpi sgt, %jit3A_742, %sign3A_751 : i32
    %sign3A_753 = arith.extui %sign3A_752 : i1 to i32
    %sign3A_754 = arith.constant 0 : i32
    %sign3A_755 = arith.cmpi slt, %jit3A_742, %sign3A_754 : i32
    %sign3A_756 = arith.extui %sign3A_755 : i1 to i32
    %sign3A_757 = arith.subi %sign3A_753, %sign3A_756 : i32
    %ne3A_758 = arith.cmpi ne, %sign3A_750, %sign3A_757 : i32
    %rem3A_759 = arith.remsi %add3A_741, %jit3A_742 : i32
    %ne3A_760 = arith.constant 0 : i32
    %ne3A_761 = arith.cmpi ne, %rem3A_759, %ne3A_760 : i32
    %and3A_762 = arith.andi %ne3A_758, %ne3A_761 : i1
    %sub3A_763 = arith.constant 1 : i32
    %sub3A_764 = arith.subi %div3A_743, %sub3A_763 : i32
    %select_n3A_765 = arith.select %and3A_762, %sub3A_764, %div3A_743 : i32
    %mul3A_766 = arith.constant 16 : i32
    %mul3A_767 = arith.muli %select_n3A_765, %mul3A_766 : i32
    %sub3A_768 = arith.subi %add3A_741, %mul3A_767 : i32
    %sub3A_769 = arith.subi %select_n3A_765, %min3A_19 : i32
    %dma_start3A_770 = arith.constant 0 : i32
    %dma_start3A_771 = tpu.memref_slice %arg5[%sub3A_769, %dma_start3A_770] : memref<2x16384xi32, #tpu.memory_space<vmem>> -> memref<1x16384xi32, #tpu.memory_space<vmem>>
    %dma_start3A_772 = tpu.memref_squeeze %dma_start3A_771 : memref<1x16384xi32, #tpu.memory_space<vmem>> -> memref<16384xi32, #tpu.memory_space<vmem>>
    %dma_start3A_773 = arith.constant 0 : i32
    %dma_start3A_774 = tpu.memref_slice %arg2[%select_n3A_765, %sub3A_768, %dma_start3A_773] : memref<26x16x100001xf32, #tpu.memory_space<hbm>> -> memref<1x1x100001xf32, #tpu.memory_space<hbm>>
    %dma_start3A_775 = tpu.memref_squeeze %dma_start3A_774 : memref<1x1x100001xf32, #tpu.memory_space<hbm>> -> memref<100001xf32, #tpu.memory_space<hbm>>
    %dma_start3A_776 = arith.constant 0 : i32
    %dma_start3A_777 = tpu.memref_slice %dma_start3A_775[%dma_start3A_776] : memref<100001xf32, #tpu.memory_space<hbm>> -> memref<100001xf32, #tpu.memory_space<hbm>>
    tpu.enqueue_indirect_dma source(%dma_start3A_777 : memref<100001xf32, #tpu.memory_space<hbm>>) target(%arg6 : memref<16384xf32, #tpu.memory_space<vmem>>) offsets(%dma_start3A_772 : memref<16384xi32, #tpu.memory_space<vmem>>) semaphore(%arg8 : memref<!tpu.dma_semaphore, #tpu.memory_space<semaphore_mem>>)
    %jit3A_778 = arith.constant 16 : i32
    %div3A_779 = arith.divsi %add3A_739, %jit3A_778 : i32
    %sign3A_780 = arith.constant 0 : i32
    %sign3A_781 = arith.cmpi sgt, %add3A_739, %sign3A_780 : i32
    %sign3A_782 = arith.extui %sign3A_781 : i1 to i32
    %sign3A_783 = arith.constant 0 : i32
    %sign3A_784 = arith.cmpi slt, %add3A_739, %sign3A_783 : i32
    %sign3A_785 = arith.extui %sign3A_784 : i1 to i32
    %sign3A_786 = arith.subi %sign3A_782, %sign3A_785 : i32
    %sign3A_787 = arith.constant 0 : i32
    %sign3A_788 = arith.cmpi sgt, %jit3A_778, %sign3A_787 : i32
    %sign3A_789 = arith.extui %sign3A_788 : i1 to i32
    %sign3A_790 = arith.constant 0 : i32
    %sign3A_791 = arith.cmpi slt, %jit3A_778, %sign3A_790 : i32
    %sign3A_792 = arith.extui %sign3A_791 : i1 to i32
    %sign3A_793 = arith.subi %sign3A_789, %sign3A_792 : i32
    %ne3A_794 = arith.cmpi ne, %sign3A_786, %sign3A_793 : i32
    %rem3A_795 = arith.remsi %add3A_739, %jit3A_778 : i32
    %ne3A_796 = arith.constant 0 : i32
    %ne3A_797 = arith.cmpi ne, %rem3A_795, %ne3A_796 : i32
    %and3A_798 = arith.andi %ne3A_794, %ne3A_797 : i1
    %sub3A_799 = arith.constant 1 : i32
    %sub3A_800 = arith.subi %div3A_779, %sub3A_799 : i32
    %select_n3A_801 = arith.select %and3A_798, %sub3A_800, %div3A_779 : i32
    %mul3A_802 = arith.constant 16 : i32
    %mul3A_803 = arith.muli %select_n3A_801, %mul3A_802 : i32
    %sub3A_804 = arith.subi %add3A_739, %mul3A_803 : i32
    %sub3A_805 = arith.subi %select_n3A_801, %min3A_19 : i32
    %dma_wait3A_806 = arith.constant 0 : i32
    %dma_wait3A_807 = tpu.memref_slice %arg5[%sub3A_805, %dma_wait3A_806] : memref<2x16384xi32, #tpu.memory_space<vmem>> -> memref<1x16384xi32, #tpu.memory_space<vmem>>
    %dma_wait3A_808 = tpu.memref_squeeze %dma_wait3A_807 : memref<1x16384xi32, #tpu.memory_space<vmem>> -> memref<16384xi32, #tpu.memory_space<vmem>>
    %dma_wait3A_809 = arith.constant 0 : i32
    %dma_wait3A_810 = tpu.memref_slice %arg2[%select_n3A_801, %sub3A_804, %dma_wait3A_809] : memref<26x16x100001xf32, #tpu.memory_space<hbm>> -> memref<1x1x100001xf32, #tpu.memory_space<hbm>>
    %dma_wait3A_811 = tpu.memref_squeeze %dma_wait3A_810 : memref<1x1x100001xf32, #tpu.memory_space<hbm>> -> memref<100001xf32, #tpu.memory_space<hbm>>
    %dma_wait3A_812 = arith.constant 0 : i32
    %dma_wait3A_813 = tpu.memref_slice %dma_wait3A_811[%dma_wait3A_812] : memref<100001xf32, #tpu.memory_space<hbm>> -> memref<100001xf32, #tpu.memory_space<hbm>>
    tpu.wait_indirect_dma semaphore(%arg9 : memref<!tpu.dma_semaphore, #tpu.memory_space<semaphore_mem>>) src(%dma_wait3A_813 : memref<100001xf32, #tpu.memory_space<hbm>>) dst(%arg7 : memref<16384xf32, #tpu.memory_space<vmem>>)
    "tpu.region"() ({
      %run_scoped3A = tpu.sem_alloc : memref<!tpu.dma_semaphore, #tpu.memory_space<semaphore_mem>>
      %dma_start3A_1004 = arith.constant 0 : i32
      %dma_start3A_1005 = tpu.memref_slice %arg4[%select_n3A_801, %sub3A_804, %dma_start3A_1004] : memref<26x16x16384xf32, #tpu.memory_space<hbm>> -> memref<1x1x16384xf32, #tpu.memory_space<hbm>>
      %dma_start3A_1006 = tpu.memref_squeeze %dma_start3A_1005 : memref<1x1x16384xf32, #tpu.memory_space<hbm>> -> memref<16384xf32, #tpu.memory_space<hbm>>
      %dma_start3A_1007 = arith.constant 0 : i32
      %dma_start3A_1008 = tpu.memref_slice %arg4[%select_n3A_801, %sub3A_804, %dma_start3A_1007] : memref<26x16x16384xf32, #tpu.memory_space<hbm>> -> memref<1x1x16384xf32, #tpu.memory_space<hbm>>
      %dma_start3A_1009 = tpu.memref_squeeze %dma_start3A_1008 : memref<1x1x16384xf32, #tpu.memory_space<hbm>> -> memref<16384xf32, #tpu.memory_space<hbm>>
      tpu.enqueue_dma source(%arg7 : memref<16384xf32, #tpu.memory_space<vmem>>) target(%dma_start3A_1009 : memref<16384xf32, #tpu.memory_space<hbm>>) target_semaphore(%run_scoped3A : memref<!tpu.dma_semaphore, #tpu.memory_space<semaphore_mem>>)
      %dma_wait3A_1010 = arith.constant 0 : i32
      %dma_wait3A_1011 = tpu.memref_slice %arg4[%select_n3A_801, %sub3A_804, %dma_wait3A_1010] : memref<26x16x16384xf32, #tpu.memory_space<hbm>> -> memref<1x1x16384xf32, #tpu.memory_space<hbm>>
      %dma_wait3A_1012 = tpu.memref_squeeze %dma_wait3A_1011 : memref<1x1x16384xf32, #tpu.memory_space<hbm>> -> memref<16384xf32, #tpu.memory_space<hbm>>
      %dma_wait3A_1013 = arith.constant 0 : i32
      %dma_wait3A_1014 = tpu.memref_slice %arg4[%select_n3A_801, %sub3A_804, %dma_wait3A_1013] : memref<26x16x16384xf32, #tpu.memory_space<hbm>> -> memref<1x1x16384xf32, #tpu.memory_space<hbm>>
      %dma_wait3A_1015 = tpu.memref_squeeze %dma_wait3A_1014 : memref<1x1x16384xf32, #tpu.memory_space<hbm>> -> memref<16384xf32, #tpu.memory_space<hbm>>
      tpu.wait_dma2 semaphore(%run_scoped3A : memref<!tpu.dma_semaphore, #tpu.memory_space<semaphore_mem>>) src(%arg7 : memref<16384xf32, #tpu.memory_space<vmem>>) dst(%dma_wait3A_1015 : memref<16384xf32, #tpu.memory_space<hbm>>)
      tpu.yield
    }) : () -> ()
    %add3A_814 = arith.constant 10 : i32
    %add3A_815 = arith.addi %mul3A_2, %add3A_814 : i32
    %add3A_816 = arith.constant 1 : i32
    %add3A_817 = arith.addi %add3A_815, %add3A_816 : i32
    %jit3A_818 = arith.constant 16 : i32
    %div3A_819 = arith.divsi %add3A_817, %jit3A_818 : i32
    %sign3A_820 = arith.constant 0 : i32
    %sign3A_821 = arith.cmpi sgt, %add3A_817, %sign3A_820 : i32
    %sign3A_822 = arith.extui %sign3A_821 : i1 to i32
    %sign3A_823 = arith.constant 0 : i32
    %sign3A_824 = arith.cmpi slt, %add3A_817, %sign3A_823 : i32
    %sign3A_825 = arith.extui %sign3A_824 : i1 to i32
    %sign3A_826 = arith.subi %sign3A_822, %sign3A_825 : i32
    %sign3A_827 = arith.constant 0 : i32
    %sign3A_828 = arith.cmpi sgt, %jit3A_818, %sign3A_827 : i32
    %sign3A_829 = arith.extui %sign3A_828 : i1 to i32
    %sign3A_830 = arith.constant 0 : i32
    %sign3A_831 = arith.cmpi slt, %jit3A_818, %sign3A_830 : i32
    %sign3A_832 = arith.extui %sign3A_831 : i1 to i32
    %sign3A_833 = arith.subi %sign3A_829, %sign3A_832 : i32
    %ne3A_834 = arith.cmpi ne, %sign3A_826, %sign3A_833 : i32
    %rem3A_835 = arith.remsi %add3A_817, %jit3A_818 : i32
    %ne3A_836 = arith.constant 0 : i32
    %ne3A_837 = arith.cmpi ne, %rem3A_835, %ne3A_836 : i32
    %and3A_838 = arith.andi %ne3A_834, %ne3A_837 : i1
    %sub3A_839 = arith.constant 1 : i32
    %sub3A_840 = arith.subi %div3A_819, %sub3A_839 : i32
    %select_n3A_841 = arith.select %and3A_838, %sub3A_840, %div3A_819 : i32
    %mul3A_842 = arith.constant 16 : i32
    %mul3A_843 = arith.muli %select_n3A_841, %mul3A_842 : i32
    %sub3A_844 = arith.subi %add3A_817, %mul3A_843 : i32
    %sub3A_845 = arith.subi %select_n3A_841, %min3A_19 : i32
    %dma_start3A_846 = arith.constant 0 : i32
    %dma_start3A_847 = tpu.memref_slice %arg5[%sub3A_845, %dma_start3A_846] : memref<2x16384xi32, #tpu.memory_space<vmem>> -> memref<1x16384xi32, #tpu.memory_space<vmem>>
    %dma_start3A_848 = tpu.memref_squeeze %dma_start3A_847 : memref<1x16384xi32, #tpu.memory_space<vmem>> -> memref<16384xi32, #tpu.memory_space<vmem>>
    %dma_start3A_849 = arith.constant 0 : i32
    %dma_start3A_850 = tpu.memref_slice %arg2[%select_n3A_841, %sub3A_844, %dma_start3A_849] : memref<26x16x100001xf32, #tpu.memory_space<hbm>> -> memref<1x1x100001xf32, #tpu.memory_space<hbm>>
    %dma_start3A_851 = tpu.memref_squeeze %dma_start3A_850 : memref<1x1x100001xf32, #tpu.memory_space<hbm>> -> memref<100001xf32, #tpu.memory_space<hbm>>
    %dma_start3A_852 = arith.constant 0 : i32
    %dma_start3A_853 = tpu.memref_slice %dma_start3A_851[%dma_start3A_852] : memref<100001xf32, #tpu.memory_space<hbm>> -> memref<100001xf32, #tpu.memory_space<hbm>>
    tpu.enqueue_indirect_dma source(%dma_start3A_853 : memref<100001xf32, #tpu.memory_space<hbm>>) target(%arg7 : memref<16384xf32, #tpu.memory_space<vmem>>) offsets(%dma_start3A_848 : memref<16384xi32, #tpu.memory_space<vmem>>) semaphore(%arg9 : memref<!tpu.dma_semaphore, #tpu.memory_space<semaphore_mem>>)
    %jit3A_854 = arith.constant 16 : i32
    %div3A_855 = arith.divsi %add3A_815, %jit3A_854 : i32
    %sign3A_856 = arith.constant 0 : i32
    %sign3A_857 = arith.cmpi sgt, %add3A_815, %sign3A_856 : i32
    %sign3A_858 = arith.extui %sign3A_857 : i1 to i32
    %sign3A_859 = arith.constant 0 : i32
    %sign3A_860 = arith.cmpi slt, %add3A_815, %sign3A_859 : i32
    %sign3A_861 = arith.extui %sign3A_860 : i1 to i32
    %sign3A_862 = arith.subi %sign3A_858, %sign3A_861 : i32
    %sign3A_863 = arith.constant 0 : i32
    %sign3A_864 = arith.cmpi sgt, %jit3A_854, %sign3A_863 : i32
    %sign3A_865 = arith.extui %sign3A_864 : i1 to i32
    %sign3A_866 = arith.constant 0 : i32
    %sign3A_867 = arith.cmpi slt, %jit3A_854, %sign3A_866 : i32
    %sign3A_868 = arith.extui %sign3A_867 : i1 to i32
    %sign3A_869 = arith.subi %sign3A_865, %sign3A_868 : i32
    %ne3A_870 = arith.cmpi ne, %sign3A_862, %sign3A_869 : i32
    %rem3A_871 = arith.remsi %add3A_815, %jit3A_854 : i32
    %ne3A_872 = arith.constant 0 : i32
    %ne3A_873 = arith.cmpi ne, %rem3A_871, %ne3A_872 : i32
    %and3A_874 = arith.andi %ne3A_870, %ne3A_873 : i1
    %sub3A_875 = arith.constant 1 : i32
    %sub3A_876 = arith.subi %div3A_855, %sub3A_875 : i32
    %select_n3A_877 = arith.select %and3A_874, %sub3A_876, %div3A_855 : i32
    %mul3A_878 = arith.constant 16 : i32
    %mul3A_879 = arith.muli %select_n3A_877, %mul3A_878 : i32
    %sub3A_880 = arith.subi %add3A_815, %mul3A_879 : i32
    %sub3A_881 = arith.subi %select_n3A_877, %min3A_19 : i32
    %dma_wait3A_882 = arith.constant 0 : i32
    %dma_wait3A_883 = tpu.memref_slice %arg5[%sub3A_881, %dma_wait3A_882] : memref<2x16384xi32, #tpu.memory_space<vmem>> -> memref<1x16384xi32, #tpu.memory_space<vmem>>
    %dma_wait3A_884 = tpu.memref_squeeze %dma_wait3A_883 : memref<1x16384xi32, #tpu.memory_space<vmem>> -> memref<16384xi32, #tpu.memory_space<vmem>>
    %dma_wait3A_885 = arith.constant 0 : i32
    %dma_wait3A_886 = tpu.memref_slice %arg2[%select_n3A_877, %sub3A_880, %dma_wait3A_885] : memref<26x16x100001xf32, #tpu.memory_space<hbm>> -> memref<1x1x100001xf32, #tpu.memory_space<hbm>>
    %dma_wait3A_887 = tpu.memref_squeeze %dma_wait3A_886 : memref<1x1x100001xf32, #tpu.memory_space<hbm>> -> memref<100001xf32, #tpu.memory_space<hbm>>
    %dma_wait3A_888 = arith.constant 0 : i32
    %dma_wait3A_889 = tpu.memref_slice %dma_wait3A_887[%dma_wait3A_888] : memref<100001xf32, #tpu.memory_space<hbm>> -> memref<100001xf32, #tpu.memory_space<hbm>>
    tpu.wait_indirect_dma semaphore(%arg8 : memref<!tpu.dma_semaphore, #tpu.memory_space<semaphore_mem>>) src(%dma_wait3A_889 : memref<100001xf32, #tpu.memory_space<hbm>>) dst(%arg6 : memref<16384xf32, #tpu.memory_space<vmem>>)
    "tpu.region"() ({
      %run_scoped3A = tpu.sem_alloc : memref<!tpu.dma_semaphore, #tpu.memory_space<semaphore_mem>>
      %dma_start3A_1004 = arith.constant 0 : i32
      %dma_start3A_1005 = tpu.memref_slice %arg4[%select_n3A_877, %sub3A_880, %dma_start3A_1004] : memref<26x16x16384xf32, #tpu.memory_space<hbm>> -> memref<1x1x16384xf32, #tpu.memory_space<hbm>>
      %dma_start3A_1006 = tpu.memref_squeeze %dma_start3A_1005 : memref<1x1x16384xf32, #tpu.memory_space<hbm>> -> memref<16384xf32, #tpu.memory_space<hbm>>
      %dma_start3A_1007 = arith.constant 0 : i32
      %dma_start3A_1008 = tpu.memref_slice %arg4[%select_n3A_877, %sub3A_880, %dma_start3A_1007] : memref<26x16x16384xf32, #tpu.memory_space<hbm>> -> memref<1x1x16384xf32, #tpu.memory_space<hbm>>
      %dma_start3A_1009 = tpu.memref_squeeze %dma_start3A_1008 : memref<1x1x16384xf32, #tpu.memory_space<hbm>> -> memref<16384xf32, #tpu.memory_space<hbm>>
      tpu.enqueue_dma source(%arg6 : memref<16384xf32, #tpu.memory_space<vmem>>) target(%dma_start3A_1009 : memref<16384xf32, #tpu.memory_space<hbm>>) target_semaphore(%run_scoped3A : memref<!tpu.dma_semaphore, #tpu.memory_space<semaphore_mem>>)
      %dma_wait3A_1010 = arith.constant 0 : i32
      %dma_wait3A_1011 = tpu.memref_slice %arg4[%select_n3A_877, %sub3A_880, %dma_wait3A_1010] : memref<26x16x16384xf32, #tpu.memory_space<hbm>> -> memref<1x1x16384xf32, #tpu.memory_space<hbm>>
      %dma_wait3A_1012 = tpu.memref_squeeze %dma_wait3A_1011 : memref<1x1x16384xf32, #tpu.memory_space<hbm>> -> memref<16384xf32, #tpu.memory_space<hbm>>
      %dma_wait3A_1013 = arith.constant 0 : i32
      %dma_wait3A_1014 = tpu.memref_slice %arg4[%select_n3A_877, %sub3A_880, %dma_wait3A_1013] : memref<26x16x16384xf32, #tpu.memory_space<hbm>> -> memref<1x1x16384xf32, #tpu.memory_space<hbm>>
      %dma_wait3A_1015 = tpu.memref_squeeze %dma_wait3A_1014 : memref<1x1x16384xf32, #tpu.memory_space<hbm>> -> memref<16384xf32, #tpu.memory_space<hbm>>
      tpu.wait_dma2 semaphore(%run_scoped3A : memref<!tpu.dma_semaphore, #tpu.memory_space<semaphore_mem>>) src(%arg6 : memref<16384xf32, #tpu.memory_space<vmem>>) dst(%dma_wait3A_1015 : memref<16384xf32, #tpu.memory_space<hbm>>)
      tpu.yield
    }) : () -> ()
    %add3A_890 = arith.constant 11 : i32
    %add3A_891 = arith.addi %mul3A_2, %add3A_890 : i32
    %add3A_892 = arith.constant 1 : i32
    %add3A_893 = arith.addi %add3A_891, %add3A_892 : i32
    %jit3A_894 = arith.constant 16 : i32
    %div3A_895 = arith.divsi %add3A_893, %jit3A_894 : i32
    %sign3A_896 = arith.constant 0 : i32
    %sign3A_897 = arith.cmpi sgt, %add3A_893, %sign3A_896 : i32
    %sign3A_898 = arith.extui %sign3A_897 : i1 to i32
    %sign3A_899 = arith.constant 0 : i32
    %sign3A_900 = arith.cmpi slt, %add3A_893, %sign3A_899 : i32
    %sign3A_901 = arith.extui %sign3A_900 : i1 to i32
    %sign3A_902 = arith.subi %sign3A_898, %sign3A_901 : i32
    %sign3A_903 = arith.constant 0 : i32
    %sign3A_904 = arith.cmpi sgt, %jit3A_894, %sign3A_903 : i32
    %sign3A_905 = arith.extui %sign3A_904 : i1 to i32
    %sign3A_906 = arith.constant 0 : i32
    %sign3A_907 = arith.cmpi slt, %jit3A_894, %sign3A_906 : i32
    %sign3A_908 = arith.extui %sign3A_907 : i1 to i32
    %sign3A_909 = arith.subi %sign3A_905, %sign3A_908 : i32
    %ne3A_910 = arith.cmpi ne, %sign3A_902, %sign3A_909 : i32
    %rem3A_911 = arith.remsi %add3A_893, %jit3A_894 : i32
    %ne3A_912 = arith.constant 0 : i32
    %ne3A_913 = arith.cmpi ne, %rem3A_911, %ne3A_912 : i32
    %and3A_914 = arith.andi %ne3A_910, %ne3A_913 : i1
    %sub3A_915 = arith.constant 1 : i32
    %sub3A_916 = arith.subi %div3A_895, %sub3A_915 : i32
    %select_n3A_917 = arith.select %and3A_914, %sub3A_916, %div3A_895 : i32
    %mul3A_918 = arith.constant 16 : i32
    %mul3A_919 = arith.muli %select_n3A_917, %mul3A_918 : i32
    %sub3A_920 = arith.subi %add3A_893, %mul3A_919 : i32
    %sub3A_921 = arith.subi %select_n3A_917, %min3A_19 : i32
    %dma_start3A_922 = arith.constant 0 : i32
    %dma_start3A_923 = tpu.memref_slice %arg5[%sub3A_921, %dma_start3A_922] : memref<2x16384xi32, #tpu.memory_space<vmem>> -> memref<1x16384xi32, #tpu.memory_space<vmem>>
    %dma_start3A_924 = tpu.memref_squeeze %dma_start3A_923 : memref<1x16384xi32, #tpu.memory_space<vmem>> -> memref<16384xi32, #tpu.memory_space<vmem>>
    %dma_start3A_925 = arith.constant 0 : i32
    %dma_start3A_926 = tpu.memref_slice %arg2[%select_n3A_917, %sub3A_920, %dma_start3A_925] : memref<26x16x100001xf32, #tpu.memory_space<hbm>> -> memref<1x1x100001xf32, #tpu.memory_space<hbm>>
    %dma_start3A_927 = tpu.memref_squeeze %dma_start3A_926 : memref<1x1x100001xf32, #tpu.memory_space<hbm>> -> memref<100001xf32, #tpu.memory_space<hbm>>
    %dma_start3A_928 = arith.constant 0 : i32
    %dma_start3A_929 = tpu.memref_slice %dma_start3A_927[%dma_start3A_928] : memref<100001xf32, #tpu.memory_space<hbm>> -> memref<100001xf32, #tpu.memory_space<hbm>>
    tpu.enqueue_indirect_dma source(%dma_start3A_929 : memref<100001xf32, #tpu.memory_space<hbm>>) target(%arg6 : memref<16384xf32, #tpu.memory_space<vmem>>) offsets(%dma_start3A_924 : memref<16384xi32, #tpu.memory_space<vmem>>) semaphore(%arg8 : memref<!tpu.dma_semaphore, #tpu.memory_space<semaphore_mem>>)
    %jit3A_930 = arith.constant 16 : i32
    %div3A_931 = arith.divsi %add3A_891, %jit3A_930 : i32
    %sign3A_932 = arith.constant 0 : i32
    %sign3A_933 = arith.cmpi sgt, %add3A_891, %sign3A_932 : i32
    %sign3A_934 = arith.extui %sign3A_933 : i1 to i32
    %sign3A_935 = arith.constant 0 : i32
    %sign3A_936 = arith.cmpi slt, %add3A_891, %sign3A_935 : i32
    %sign3A_937 = arith.extui %sign3A_936 : i1 to i32
    %sign3A_938 = arith.subi %sign3A_934, %sign3A_937 : i32
    %sign3A_939 = arith.constant 0 : i32
    %sign3A_940 = arith.cmpi sgt, %jit3A_930, %sign3A_939 : i32
    %sign3A_941 = arith.extui %sign3A_940 : i1 to i32
    %sign3A_942 = arith.constant 0 : i32
    %sign3A_943 = arith.cmpi slt, %jit3A_930, %sign3A_942 : i32
    %sign3A_944 = arith.extui %sign3A_943 : i1 to i32
    %sign3A_945 = arith.subi %sign3A_941, %sign3A_944 : i32
    %ne3A_946 = arith.cmpi ne, %sign3A_938, %sign3A_945 : i32
    %rem3A_947 = arith.remsi %add3A_891, %jit3A_930 : i32
    %ne3A_948 = arith.constant 0 : i32
    %ne3A_949 = arith.cmpi ne, %rem3A_947, %ne3A_948 : i32
    %and3A_950 = arith.andi %ne3A_946, %ne3A_949 : i1
    %sub3A_951 = arith.constant 1 : i32
    %sub3A_952 = arith.subi %div3A_931, %sub3A_951 : i32
    %select_n3A_953 = arith.select %and3A_950, %sub3A_952, %div3A_931 : i32
    %mul3A_954 = arith.constant 16 : i32
    %mul3A_955 = arith.muli %select_n3A_953, %mul3A_954 : i32
    %sub3A_956 = arith.subi %add3A_891, %mul3A_955 : i32
    %sub3A_957 = arith.subi %select_n3A_953, %min3A_19 : i32
    %dma_wait3A_958 = arith.constant 0 : i32
    %dma_wait3A_959 = tpu.memref_slice %arg5[%sub3A_957, %dma_wait3A_958] : memref<2x16384xi32, #tpu.memory_space<vmem>> -> memref<1x16384xi32, #tpu.memory_space<vmem>>
    %dma_wait3A_960 = tpu.memref_squeeze %dma_wait3A_959 : memref<1x16384xi32, #tpu.memory_space<vmem>> -> memref<16384xi32, #tpu.memory_space<vmem>>
    %dma_wait3A_961 = arith.constant 0 : i32
    %dma_wait3A_962 = tpu.memref_slice %arg2[%select_n3A_953, %sub3A_956, %dma_wait3A_961] : memref<26x16x100001xf32, #tpu.memory_space<hbm>> -> memref<1x1x100001xf32, #tpu.memory_space<hbm>>
    %dma_wait3A_963 = tpu.memref_squeeze %dma_wait3A_962 : memref<1x1x100001xf32, #tpu.memory_space<hbm>> -> memref<100001xf32, #tpu.memory_space<hbm>>
    %dma_wait3A_964 = arith.constant 0 : i32
    %dma_wait3A_965 = tpu.memref_slice %dma_wait3A_963[%dma_wait3A_964] : memref<100001xf32, #tpu.memory_space<hbm>> -> memref<100001xf32, #tpu.memory_space<hbm>>
    tpu.wait_indirect_dma semaphore(%arg9 : memref<!tpu.dma_semaphore, #tpu.memory_space<semaphore_mem>>) src(%dma_wait3A_965 : memref<100001xf32, #tpu.memory_space<hbm>>) dst(%arg7 : memref<16384xf32, #tpu.memory_space<vmem>>)
    "tpu.region"() ({
      %run_scoped3A = tpu.sem_alloc : memref<!tpu.dma_semaphore, #tpu.memory_space<semaphore_mem>>
      %dma_start3A_1004 = arith.constant 0 : i32
      %dma_start3A_1005 = tpu.memref_slice %arg4[%select_n3A_953, %sub3A_956, %dma_start3A_1004] : memref<26x16x16384xf32, #tpu.memory_space<hbm>> -> memref<1x1x16384xf32, #tpu.memory_space<hbm>>
      %dma_start3A_1006 = tpu.memref_squeeze %dma_start3A_1005 : memref<1x1x16384xf32, #tpu.memory_space<hbm>> -> memref<16384xf32, #tpu.memory_space<hbm>>
      %dma_start3A_1007 = arith.constant 0 : i32
      %dma_start3A_1008 = tpu.memref_slice %arg4[%select_n3A_953, %sub3A_956, %dma_start3A_1007] : memref<26x16x16384xf32, #tpu.memory_space<hbm>> -> memref<1x1x16384xf32, #tpu.memory_space<hbm>>
      %dma_start3A_1009 = tpu.memref_squeeze %dma_start3A_1008 : memref<1x1x16384xf32, #tpu.memory_space<hbm>> -> memref<16384xf32, #tpu.memory_space<hbm>>
      tpu.enqueue_dma source(%arg7 : memref<16384xf32, #tpu.memory_space<vmem>>) target(%dma_start3A_1009 : memref<16384xf32, #tpu.memory_space<hbm>>) target_semaphore(%run_scoped3A : memref<!tpu.dma_semaphore, #tpu.memory_space<semaphore_mem>>)
      %dma_wait3A_1010 = arith.constant 0 : i32
      %dma_wait3A_1011 = tpu.memref_slice %arg4[%select_n3A_953, %sub3A_956, %dma_wait3A_1010] : memref<26x16x16384xf32, #tpu.memory_space<hbm>> -> memref<1x1x16384xf32, #tpu.memory_space<hbm>>
      %dma_wait3A_1012 = tpu.memref_squeeze %dma_wait3A_1011 : memref<1x1x16384xf32, #tpu.memory_space<hbm>> -> memref<16384xf32, #tpu.memory_space<hbm>>
      %dma_wait3A_1013 = arith.constant 0 : i32
      %dma_wait3A_1014 = tpu.memref_slice %arg4[%select_n3A_953, %sub3A_956, %dma_wait3A_1013] : memref<26x16x16384xf32, #tpu.memory_space<hbm>> -> memref<1x1x16384xf32, #tpu.memory_space<hbm>>
      %dma_wait3A_1015 = tpu.memref_squeeze %dma_wait3A_1014 : memref<1x1x16384xf32, #tpu.memory_space<hbm>> -> memref<16384xf32, #tpu.memory_space<hbm>>
      tpu.wait_dma2 semaphore(%run_scoped3A : memref<!tpu.dma_semaphore, #tpu.memory_space<semaphore_mem>>) src(%arg7 : memref<16384xf32, #tpu.memory_space<vmem>>) dst(%dma_wait3A_1015 : memref<16384xf32, #tpu.memory_space<hbm>>)
      tpu.yield
    }) : () -> ()
    %add3A_966 = arith.constant 12 : i32
    %add3A_967 = arith.addi %mul3A_2, %add3A_966 : i32
    %jit3A_968 = arith.constant 16 : i32
    %div3A_969 = arith.divsi %add3A_967, %jit3A_968 : i32
    %sign3A_970 = arith.constant 0 : i32
    %sign3A_971 = arith.cmpi sgt, %add3A_967, %sign3A_970 : i32
    %sign3A_972 = arith.extui %sign3A_971 : i1 to i32
    %sign3A_973 = arith.constant 0 : i32
    %sign3A_974 = arith.cmpi slt, %add3A_967, %sign3A_973 : i32
    %sign3A_975 = arith.extui %sign3A_974 : i1 to i32
    %sign3A_976 = arith.subi %sign3A_972, %sign3A_975 : i32
    %sign3A_977 = arith.constant 0 : i32
    %sign3A_978 = arith.cmpi sgt, %jit3A_968, %sign3A_977 : i32
    %sign3A_979 = arith.extui %sign3A_978 : i1 to i32
    %sign3A_980 = arith.constant 0 : i32
    %sign3A_981 = arith.cmpi slt, %jit3A_968, %sign3A_980 : i32
    %sign3A_982 = arith.extui %sign3A_981 : i1 to i32
    %sign3A_983 = arith.subi %sign3A_979, %sign3A_982 : i32
    %ne3A_984 = arith.cmpi ne, %sign3A_976, %sign3A_983 : i32
    %rem3A_985 = arith.remsi %add3A_967, %jit3A_968 : i32
    %ne3A_986 = arith.constant 0 : i32
    %ne3A_987 = arith.cmpi ne, %rem3A_985, %ne3A_986 : i32
    %and3A_988 = arith.andi %ne3A_984, %ne3A_987 : i1
    %sub3A_989 = arith.constant 1 : i32
    %sub3A_990 = arith.subi %div3A_969, %sub3A_989 : i32
    %select_n3A_991 = arith.select %and3A_988, %sub3A_990, %div3A_969 : i32
    %mul3A_992 = arith.constant 16 : i32
    %mul3A_993 = arith.muli %select_n3A_991, %mul3A_992 : i32
    %sub3A_994 = arith.subi %add3A_967, %mul3A_993 : i32
    %sub3A_995 = arith.subi %select_n3A_991, %min3A_19 : i32
    %dma_wait3A_996 = arith.constant 0 : i32
    %dma_wait3A_997 = tpu.memref_slice %arg5[%sub3A_995, %dma_wait3A_996] : memref<2x16384xi32, #tpu.memory_space<vmem>> -> memref<1x16384xi32, #tpu.memory_space<vmem>>
    %dma_wait3A_998 = tpu.memref_squeeze %dma_wait3A_997 : memref<1x16384xi32, #tpu.memory_space<vmem>> -> memref<16384xi32, #tpu.memory_space<vmem>>
    %dma_wait3A_999 = arith.constant 0 : i32
    %dma_wait3A_1000 = tpu.memref_slice %arg2[%select_n3A_991, %sub3A_994, %dma_wait3A_999] : memref<26x16x100001xf32, #tpu.memory_space<hbm>> -> memref<1x1x100001xf32, #tpu.memory_space<hbm>>
    %dma_wait3A_1001 = tpu.memref_squeeze %dma_wait3A_1000 : memref<1x1x100001xf32, #tpu.memory_space<hbm>> -> memref<100001xf32, #tpu.memory_space<hbm>>
    %dma_wait3A_1002 = arith.constant 0 : i32
    %dma_wait3A_1003 = tpu.memref_slice %dma_wait3A_1001[%dma_wait3A_1002] : memref<100001xf32, #tpu.memory_space<hbm>> -> memref<100001xf32, #tpu.memory_space<hbm>>
    tpu.wait_indirect_dma semaphore(%arg8 : memref<!tpu.dma_semaphore, #tpu.memory_space<semaphore_mem>>) src(%dma_wait3A_1003 : memref<100001xf32, #tpu.memory_space<hbm>>) dst(%arg6 : memref<16384xf32, #tpu.memory_space<vmem>>)
    "tpu.region"() ({
      %run_scoped3A = tpu.sem_alloc : memref<!tpu.dma_semaphore, #tpu.memory_space<semaphore_mem>>
      %dma_start3A_1004 = arith.constant 0 : i32
      %dma_start3A_1005 = tpu.memref_slice %arg4[%select_n3A_991, %sub3A_994, %dma_start3A_1004] : memref<26x16x16384xf32, #tpu.memory_space<hbm>> -> memref<1x1x16384xf32, #tpu.memory_space<hbm>>
      %dma_start3A_1006 = tpu.memref_squeeze %dma_start3A_1005 : memref<1x1x16384xf32, #tpu.memory_space<hbm>> -> memref<16384xf32, #tpu.memory_space<hbm>>
      %dma_start3A_1007 = arith.constant 0 : i32
      %dma_start3A_1008 = tpu.memref_slice %arg4[%select_n3A_991, %sub3A_994, %dma_start3A_1007] : memref<26x16x16384xf32, #tpu.memory_space<hbm>> -> memref<1x1x16384xf32, #tpu.memory_space<hbm>>
      %dma_start3A_1009 = tpu.memref_squeeze %dma_start3A_1008 : memref<1x1x16384xf32, #tpu.memory_space<hbm>> -> memref<16384xf32, #tpu.memory_space<hbm>>
      tpu.enqueue_dma source(%arg6 : memref<16384xf32, #tpu.memory_space<vmem>>) target(%dma_start3A_1009 : memref<16384xf32, #tpu.memory_space<hbm>>) target_semaphore(%run_scoped3A : memref<!tpu.dma_semaphore, #tpu.memory_space<semaphore_mem>>)
      %dma_wait3A_1010 = arith.constant 0 : i32
      %dma_wait3A_1011 = tpu.memref_slice %arg4[%select_n3A_991, %sub3A_994, %dma_wait3A_1010] : memref<26x16x16384xf32, #tpu.memory_space<hbm>> -> memref<1x1x16384xf32, #tpu.memory_space<hbm>>
      %dma_wait3A_1012 = tpu.memref_squeeze %dma_wait3A_1011 : memref<1x1x16384xf32, #tpu.memory_space<hbm>> -> memref<16384xf32, #tpu.memory_space<hbm>>
      %dma_wait3A_1013 = arith.constant 0 : i32
      %dma_wait3A_1014 = tpu.memref_slice %arg4[%select_n3A_991, %sub3A_994, %dma_wait3A_1013] : memref<26x16x16384xf32, #tpu.memory_space<hbm>> -> memref<1x1x16384xf32, #tpu.memory_space<hbm>>
      %dma_wait3A_1015 = tpu.memref_squeeze %dma_wait3A_1014 : memref<1x1x16384xf32, #tpu.memory_space<hbm>> -> memref<16384xf32, #tpu.memory_space<hbm>>
      tpu.wait_dma2 semaphore(%run_scoped3A : memref<!tpu.dma_semaphore, #tpu.memory_space<semaphore_mem>>) src(%arg6 : memref<16384xf32, #tpu.memory_space<vmem>>) dst(%dma_wait3A_1015 : memref<16384xf32, #tpu.memory_space<hbm>>)
      tpu.yield
    }) : () -> ()
    return
  }
}

</mosaic_0001>

<sc_bundles>
// kernel: kernel.3.cloned.1.call-start
scs
__scs_entry_jumppad:
0x0: {  	(pc) =	sbr.rel $0x88, $3  }
0x1: {  	(tag) =	ssettag $0x0;
	lr =	simm.s32 $0x1  }
0x2: {  	[smem:$0x3F9F] =	sst lr;
	_ =	strace $0xD0000000  }
0x3: {  	_ = 	snop  }
0x4: {  	_ = 	snop  }
0x5: {  	_ = 	snop  }
0x6: {  	_ = 	snop  }
0x7: {  	_ = 	snop  }
__scs_overlays_trampoline_lowered:
0x8: {  	[smem:$0x3FAE] =	sst s0  }
0x9: {  	[smem:$0x3FAF] =	sst s1  }
0xa: {  	[smem:$0x3FB0] =	sst s2  }
0xb: {  	[smem:$0x3FB1] =	sst s3  }
0xc: {  	[smem:$0x3FB2] =	sst s4  }
0xd: {  	[smem:$0x3FB3] =	sst s5  }
0xe: {  	[smem:$0x3FB4] =	sst s6  }
0xf: {  	[smem:$0x3FB5] =	sst s7  }
0x10: {  	[smem:$0x3FB6] =	sst s8  }
0x11: {  	[smem:$0x3FB7] =	sst s9;
	s0 =	simm.s32 @!p0 $0x0  }
0x12: {  	s1 =	sld [smem:$0x3F9D];
	s0 =	simm.s32 @p0 $0x1  }
0x13: {  	[smem:$0x3FB8] =	sst s0;
	s0 =	simm.s32 @!p1 $0x0  }
0x14: {  	s2 =	sld [smem:$0x3F9C];
	s0 =	simm.s32 @p1 $0x1  }
0x15: {  	[smem:$0x3FB9] =	sst s0;
	s0 =	simm.s32 @!p2 $0x0  }
0x16: {  	s3 =	sld [smem:$0x3FDB];
	s0 =	simm.s32 @p2 $0x1  }
0x17: {  	s4 =	simm.s32 $0x1BF5;
	[smem:$0x3FBB] =	sst s0  }
0x18: {  	s0 =	sld [smem:$0x3F9E];
	_ =	swait.ge [sflag:s4], $0x0  }
0x19: {  	s7 =	sld [smem:$0x3F9F]  }
0x1a: {  	s8 =	sadd.s32 $0xFFFFE003, lr  }
0x1b: {  	s9 =	sadd.s32 $0xFFFFFEF7, lr;
	s5 =	simm.s32 $0xFFFFFFFF;
	p2 =	slt.u32 s8, $0xFFFFF086  }
0x1c: {  	p1 =	slt.u32 s9, $0xF7A;
	s5 =	simm.s32 @!p2 $0x0  }
0x1d: {  	s5 =	simm.s32 @p1 $0x1;
	p0 =	seq.s32 s7, s2  }
0x1e: {  	s7 =	smul.u32 @!p0 $0xF7A, s2;
	p2 =	seq.s32 @!p0 s5, $0x0  }
0x1f: {  	s9 =	smul.u32 $0xF7A, s1;
	s8 =	simm.s32 @!p0 $0x1BF5;
	p2 =	por !p2, p0  }
0x20: {  	[sflag:s8] =	ssyncset.s32 @!p0 $0xFFFFF086;
	s6 =	sadd.s32 @!p0 s3, s7;
	s7 =	simm.s32 @!p0 $0x108  }
0x21: {  	s3 =	sadd.s32 s3, s9;
	s6 =	sadd.s32 @!p0 $0x88, s6;
	s7 =	simm.s32 @p2 $0x1082  }
0x22: {  	[simem:s7], [sflag:s8] =	dma.local @!p0 [hbm:s6], $0xF7A  }
0x23: {  	s9 =	sor.u32 $0xD0000000, s2;
	s6 =	simm.s32 $0x108;
	_ =	swait.ge @!p0 [sflag:s8], $0x0  }
0x24: {  	s3 =	sadd.s32 $0x88, s3;
	s6 =	simm.s32 @!p1 $0x1082;
	[sflag:s4] =	ssyncset.s32 $0xFFFFF086  }
0x25: {  	[simem:s6], [sflag:s4] =	dma.local [hbm:s3], $0xF7A  }
0x26: {  	[smem:$0x3F9F] =	sst s1;
	(tag) =	ssettag s2;
	_ =	strace s9  }
0x27: {  	s1 =	sld [smem:$0x3FAF]  }
0x28: {  	s2 =	sld [smem:$0x3FB0]  }
0x29: {  	s4 =	sld [smem:$0x3FB2]  }
0x2a: {  	p0 =	seq.s32 s5, $0x0;
	s5 =	sld [smem:$0x3FB3]  }
0x2b: {  	s6 =	sld [smem:$0x3FB4]  }
0x2c: {  	s7 =	sld [smem:$0x3FB5]  }
0x2d: {  	s3 =	simm.s32 $0x108;
	s8 =	sld [smem:$0x3FB6]  }
0x2e: {  	s3 =	simm.s32 @!p0 $0x1082;
	s9 =	sld [smem:$0x3FB7]  }
0x2f: {  	lr =	sadd.s32 s0, s3;
	s0 =	sld [smem:$0x3FAE]  }
0x30: {  	s3 =	sld [smem:$0x3FB1]  }
0x31: {  	[smem:$0x3FBA] =	sst s10  }
0x32: {  	s10 =	sld [smem:$0x3FB8];
	_ =	sdelay $0x3  }
0x33: {  	p0 =	seq.s32 s10, $0x1;
	s10 =	sld [smem:$0x3FBA];
	_ =	sdelay $0x3  }
0x34: {  	[smem:$0x3FBA] =	sst s10  }
0x35: {  	s10 =	sld [smem:$0x3FB9];
	_ =	sdelay $0x3  }
0x36: {  	p1 =	seq.s32 s10, $0x1;
	s10 =	sld [smem:$0x3FBA];
	_ =	sdelay $0x3  }
0x37: {  	[smem:$0x3FBA] =	sst s10  }
0x38: {  	s10 =	sld [smem:$0x3FBB]  }
0x39: {  	_ = 	snop;
	(pc) =	sbr.ind lr, $3  }
0x3a: {  	_ = 	snop  }
0x3b: {  	_ = 	snop  }
0x3c: {  	p2 =	seq.s32 s10, $0x1;
	s10 =	sld [smem:$0x3FBA]  }
0x3d: {  	_ =	shalt  }
0x3e: {  	_ =	shalt  }
0x3f: {  	_ =	shalt  }
0x40: {  	_ =	shalt  }
0x41: {  	_ =	shalt  }
0x42: {  	_ =	shalt  }
0x43: {  	_ =	shalt  }
0x44: {  	_ =	shalt  }
0x45: {  	_ =	shalt  }
0x46: {  	_ =	shalt  }
0x47: {  	_ =	shalt  }
0x48: {  	_ =	shalt  }
0x49: {  	_ =	shalt  }
0x4a: {  	_ =	shalt  }
0x4b: {  	_ =	shalt  }
0x4c: {  	_ =	shalt  }
0x4d: {  	_ =	shalt  }
0x4e: {  	_ =	shalt  }
0x4f: {  	_ =	shalt  }
0x50: {  	_ =	shalt  }
0x51: {  	_ =	shalt  }
0x52: {  	_ =	shalt  }
0x53: {  	_ =	shalt  }
0x54: {  	_ =	shalt  }
0x55: {  	_ =	shalt  }
0x56: {  	_ =	shalt  }
0x57: {  	_ =	shalt  }
0x58: {  	_ =	shalt  }
0x59: {  	_ =	shalt  }
0x5a: {  	_ =	shalt  }
0x5b: {  	_ =	shalt  }
0x5c: {  	_ =	shalt  }
0x5d: {  	_ =	shalt  }
0x5e: {  	_ =	shalt  }
0x5f: {  	_ =	shalt  }
0x60: {  	_ =	shalt  }
0x61: {  	_ =	shalt  }
0x62: {  	_ =	shalt  }
0x63: {  	_ =	shalt  }
0x64: {  	_ =	shalt  }
0x65: {  	_ =	shalt  }
0x66: {  	_ =	shalt  }
0x67: {  	_ =	shalt  }
0x68: {  	_ =	shalt  }
0x69: {  	_ =	shalt  }
0x6a: {  	_ =	shalt  }
0x6b: {  	_ =	shalt  }
0x6c: {  	_ =	shalt  }
0x6d: {  	_ =	shalt  }
0x6e: {  	_ =	shalt  }
0x6f: {  	_ =	shalt  }
0x70: {  	_ =	shalt  }
0x71: {  	_ =	shalt  }
0x72: {  	_ =	shalt  }
0x73: {  	_ =	shalt  }
0x74: {  	_ =	shalt  }
0x75: {  	_ =	shalt  }
0x76: {  	_ =	shalt  }
0x77: {  	_ =	shalt  }
0x78: {  	_ =	shalt  }
0x79: {  	_ =	shalt  }
0x7a: {  	_ =	shalt  }
0x7b: {  	_ =	shalt  }
0x7c: {  	_ =	shalt  }
0x7d: {  	_ =	shalt  }
0x7e: {  	_ =	shalt  }
0x7f: {  	_ =	shalt  }
0x80: {  	_ =	shalt  }
0x81: {  	_ =	shalt  }
0x82: {  	_ =	shalt  }
0x83: {  	_ =	shalt  }
0x84: {  	_ =	shalt  }
0x85: {  	_ =	shalt  }
0x86: {  	_ =	shalt  }
0x87: {  	_ =	shalt  }
.Lfunc_end0:
.L_simem_size_0:
called_computation_lowered:
.L_overlay_start_0:
0x88: {  	s2 =	sld [smem:$0x3FD9]  }
0x89: {  	s3 =	sld [smem:$0x3FFE];
	_ =	sdelay $0x1  }
0x8a: {  	s1 =	srdreg.scid  }
0x8b: {  	s0 =	sand.u32 $0x1, s1  }
0x8c: {  	s17 =	sshll.u32 s0, $0xA;
	s2 =	sadd.s32 s3, s2  }
0x8d: {  	s2 =	sadd.s32 s2, s17  }
0x8e: {  	[smem:$0x3FC6] =	sst s2  }
0x8f: {  	_ = 	snop  }
0x90: {  	s2 =	sld [smem:$0x3FD0];
	(tm) =	ssettm $0x1  }
0x91: {  	s18 =	sld [smem:$0x3FFB];
	_ =	sdelay $0x3  }
0x92: {  	_ =	strace s18  }
0x93: {  	s3 =	sld [smem:$0x3FFC];
	_ =	sdelay $0x3  }
0x94: {  	_ =	strace s3  }
0x95: {  	s3 =	sld [smem:$0x3FFD];
	_ =	sdelay $0x3  }
0x96: {  	_ =	strace s3  }
0x97: {  	_ =	strace $0x8FFFFFFF  }
0x98: {  	s19 =	sld [smem:$0x3FDB];
	_ =	sdelay $0x1  }
0x99: {  	s4 =	simm.s32 $_scs_section_size  }
0x9a: {  	s5 =	simm.s32 $_size__tile_overlayer_lowered;
	s6 =	simm.s32 $_tile_overlayer_lowered  }
0x9b: {  	s22 =	simm.s32 $0x1BFF;
	s21 =	sshll.u32 s6, $0x1;
	s3 =	sadd.s32 s4, s19  }
0x9c: {  	s7 =	simm.s32 $0x0;
	s20 =	sshll.u32 s5, $0x1;
	s5 =	sadd.s32 s21, s3  }
0x9d: {  	[timem:s7], [sflag:s22] =	dma.local [hbm:s5], s20  }
0x9e: {  	_ =	swait.ge [sflag:s22], s20  }
0x9f: {  	s4 =	ssub.s32 $0x0, s20;
	[sflag:s22] =	ssyncset.done $0x0  }
0xa0: {  	[sflag:s22] =	ssyncadd.s32 s4;
	_ =	sdelay $0x1  }
0xa1: {  	s23 =	simm.s32 $0x1B8B  }
0xa2: {  	_ =	swait.ge [sflag:s23], $0x1  }
0xa3: {  	[sflag:s23] =	ssyncset.done $0x0  }
0xa4: {  	s25 =	simm.s32 $0x1B8E;
	s24 =	sld [smem:$0x3FFE];
	[sflag:s23] =	ssyncadd.s32 $0xFFFFFFFF  }
0xa5: {  	s26 =	simm.s32 $execute0_lowered;
	[smem:$0x3FD2] =	sst s25  }
0xa6: {  	s5 =	sshll.u32 s26, $0x1;
	_ =	strace $0x80000046;
	[dreg:$0x1] =	wrdreg $0xFFFFFFFF  }
0xa7: {  	s28 =	simm.s32 $_size_execute0_lowered;
	s3 =	sadd.s32 s3, s5;
	[dreg:$0x0] =	wrdreg $0x0  }
0xa8: {  	s5 =	sshll.u32 s28, $0x1;
	[dreg:$0x2] =	wrdreg s3  }
0xa9: {  	[dreg:$0x3] =	wrdreg s5  }
0xaa: {  	[dreg:$0x4] =	wrdreg $0xC0  }
0xab: {  	_ =	task [dreg:s7], $0x5FFFF  }
0xac: {  	[dreg:$0x1] =	wrdreg $0xFFFFFFFF  }
0xad: {  	[dreg:$0x0] =	wrdreg $0x60  }
0xae: {  	[dreg:$0x2] =	wrdreg s24  }
0xaf: {  	[dreg:$0x3] =	wrdreg s2  }
0xb0: {  	[dreg:$0x4] =	wrdreg $0x9  }
0xb1: {  	_ =	task.clear_ibuf [dreg:s7], $0x5FFFF;
	_ =	strace $0x90000046  }
0xb2: {  	s29 =	simm.s32 $0x9;
	_ =	strace $0x80000048  }
0xb3: {  	_ =	swait.ge [sflag:s29], $0x1  }
0xb4: {  	[sflag:s29] =	ssyncadd.s32 $0xFFFFFFFF  }
0xb5: {  	_ =	strace $0x90000048  }
0xb6: {  	_ =	sfence  }
0xb7: {  	s30 =	sld [smem:$0x0];
	_ =	sdelay $0x2  }
0xb8: {  	s31 =	sshll.u32 s1, $0xD;
	s1 =	sshrl.u32 s1, $0x2  }
0xb9: {  	s3 =	sand.u32 $0x4000, s31;
	s1 =	sadd.s32 s1, s30  }
0xba: {  	s0 =	sor.u32 s3, s0;
	s1 =	sshll.u32 s1, $0x11  }
0xbb: {  	s0 =	sor.u32 s1, s0  }
0xbc: {  	s0 =	sadd.s32 $0x8F2B, s0  }
0xbd: {  	[sflag:s0] =	ssyncadd.remote.s32 $0x1  }
0xbe: {  	_ =	sfence.sel $0xFFFF  }
0xbf: {  	[dreg:$0x0] =	wrdreg $0xFFFFFFFF;
	(pc) =	sbr.abs _section_cstart, $3  }
0xc0: {  	[dreg:$0x1] =	wrdreg $0xFFFFFFFF  }
0xc1: {  	_ =	task.clear_ibuf [dreg:s7], $0x2FFFF;
	_ =	strace $0x9FFFFFFF  }
0xc2: {  	(tm) =	ssettm $0x7FFFFFFF  }
0xc3: {  	_ =	shalt  }
tec
execute0_lowered:
.L_overlay_start_1:
0x0: {  	(tag) =	ssettag $0x1  }
0x1: {  	s1 =	srdreg.scid;
	s0 =	stileid.u32  }
0x2: {  	s12 =	rddreg [dreg:$0x0];
	s2 =	sand.u32 $0x1, s1;
	s11 =	sshll.u32 s0, $0x1  }
0x3: {  	s3 =	rddreg [dreg:$0x1];
	s1 =	sor.u32 s2, s11  }
0x4: {  	[dreg:$0x18] =	wrdreg s2;
	s2 =	simm.s32 $0x0;
	s29 =	smul.u32 $0xD, s1  }
0x5: {  	s0 =	sadd.s32 $0x1E00, s12;
	[smem:$0x7FF] =	sst s2  }
0x6: {  	s28 =	smov.u32 s0;
	_ =	strace $0x80000047;
	s4 =	sshrl.u32 s29, $0x4  }
0x7: {  	s13 =	sand.u32 $0xF, s29;
	s6 =	sadd.s32 $0x1, s29;
	s14 =	smul.u32 $0x186A80, s4  }
0x8: {  	s21 =	sadd.s32 $0x2, s29;
	s7 =	smul.u32 $0x186A8, s13;
	s9 =	sshrl.u32 s6, $0x4  }
0x9: {  	s11 =	smin.u32 s4, $0x18;
	s6 =	sand.u32 $0xF, s6;
	s10 =	smul.u32 $0x186A80, s9  }
0xa: {  	s22 =	sshrl.u32 s21, $0x4;
	s1 =	sand.u32 $0xF, s21;
	s16 =	smul.u32 $0x186A8, s6  }
0xb: {  	s5 =	sshll.u32 s11, $0xB;
	s8 =	ssub.s32 s4, s11;
	s23 =	smul.u32 $0x186A80, s22  }
0xc: {  	s17 =	ssub.s32 s9, s11;
	s4 =	sshll.u32 s4, $0xF;
	s24 =	smul.u32 $0x186A8, s1  }
0xd: {  	s25 =	ssub.s32 s22, s11;
	s9 =	sshll.u32 s9, $0xF;
	s1 =	sshll.u32 s1, $0xB  }
0xe: {  	s3 =	sadd.s32 s3, s5;
	s8 =	sshll.u32 s8, $0x10;
	s5 =	sadd.s32 s7, s14  }
0xf: {  	s7 =	sshll.u32 s17, $0x10;
	s26 =	sshll.u32 s25, $0x10;
	[dreg:$0x3] =	wrdreg s3  }
0x10: {  	s15 =	sshra.s32 s8, $0x2;
	s5 =	sshrl.u32 s5, $0x3;
	s8 =	sadd.s32 s16, s10  }
0x11: {  	s18 =	sshra.s32 s7, $0x2;
	s16 =	sadd.s32 $0x4F7A00, s12;
	s3 =	sshll.u32 s13, $0xB  }
0x12: {  	s13 =	sshll.u32 s6, $0xB;
	[dreg:$0x4] =	wrdreg s15;
	s5 =	sadd.s32 s0, s5  }
0x13: {  	s19 =	sshrl.u32 s8, $0x3;
	[dreg:$0x6] =	wrdreg s18;
	s3 =	sadd.s32 s16, s3  }
0x14: {  	s8 =	sadd.s32 $0x3, s29;
	s1 =	sadd.s32 s16, s1;
	[dreg:$0x5] =	wrdreg s5  }
0x15: {  	s20 =	sadd.s32 s0, s19;
	s3 =	sadd.s32 s4, s3;
	s4 =	sadd.s32 s24, s23  }
0x16: {  	s7 =	sand.u32 $0xF, s8;
	s5 =	sshll.u32 s22, $0xF;
	[dreg:$0x7] =	wrdreg s20  }
0x17: {  	[dreg:$0x8] =	wrdreg s3;
	s3 =	sshra.s32 s26, $0x2;
	s10 =	sshrl.u32 s4, $0x3  }
0x18: {  	s4 =	sshrl.u32 s8, $0x4;
	s14 =	smul.u32 $0x186A8, s7;
	s20 =	sadd.s32 $0x4, s29  }
0x19: {  	s1 =	sadd.s32 s5, s1;
	s26 =	sadd.s32 $0x5, s29;
	[dreg:$0x9] =	wrdreg s3  }
0x1a: {  	s3 =	sadd.s32 s0, s10;
	s12 =	smul.u32 $0x186A80, s4;
	s15 =	ssub.s32 s4, s11  }
0x1b: {  	s21 =	sshrl.u32 s20, $0x4;
	[dreg:$0xe] =	wrdreg s1;
	s4 =	sshll.u32 s4, $0xF  }
0x1c: {  	[dreg:$0xa] =	wrdreg s3;
	s3 =	sadd.s32 s16, s13;
	s17 =	sshll.u32 s15, $0x10  }
0x1d: {  	s22 =	smul.u32 $0x186A80, s21;
	s24 =	ssub.s32 s21, s11;
	s21 =	sshll.u32 s21, $0xF  }
0x1e: {  	s3 =	sadd.s32 s9, s3;
	s6 =	sadd.s32 s14, s12;
	s18 =	sshra.s32 s17, $0x2  }
0x1f: {  	s25 =	sshll.u32 s24, $0x10;
	s12 =	sshll.u32 s7, $0xB;
	[dreg:$0xb] =	wrdreg s3  }
0x20: {  	s6 =	sshrl.u32 s6, $0x3;
	[dreg:$0xc] =	wrdreg s18;
	s3 =	sand.u32 $0xF, s20  }
0x21: {  	s1 =	sshra.s32 s25, $0x2;
	s19 =	sadd.s32 s0, s6;
	s23 =	smul.u32 $0x186A8, s3  }
0x22: {  	s0 =	smov.u32 s11;
	[dreg:$0xf] =	wrdreg s1;
	s11 =	sshrl.u32 s26, $0x4  }
0x23: {  	s1 =	sand.u32 $0xF, s26;
	s3 =	sshll.u32 s3, $0xB;
	s10 =	smul.u32 $0x186A80, s11  }
0x24: {  	[dreg:$0xd] =	wrdreg s19;
	s13 =	smul.u32 $0x186A8, s1;
	s14 =	ssub.s32 s11, s0  }
0x25: {  	s3 =	sadd.s32 s16, s3;
	s5 =	sadd.s32 s23, s22;
	s17 =	sshll.u32 s14, $0x10  }
0x26: {  	s22 =	rddreg [dreg:$0x3];
	s3 =	sadd.s32 s21, s3;
	s9 =	sshrl.u32 s5, $0x3  }
0x27: {  	[tilespmem:s2], [sflag:$0x3] =	stream.linear.gather [hbm4b:s22+s2], $0x8000, $0x38;
	[tilespmem:$0x10000] =	vst v63  }
0x28: {  	s15 =	sadd.s32 s13, s10;
	[dreg:$0x14] =	wrdreg s3;
	s5 =	sadd.s32 s28, s9  }
0x29: {  	s18 =	sshra.s32 s17, $0x2;
	[dreg:$0x10] =	wrdreg s5;
	s5 =	sadd.s32 s16, s12  }
0x2a: {  	[dreg:$0x12] =	wrdreg s18;
	s4 =	sadd.s32 s4, s5;
	s5 =	sshrl.u32 s15, $0x3  }
0x2b: {  	[dreg:$0x11] =	wrdreg s4;
	s20 =	sadd.s32 s28, s5  }
0x2c: {  	s3 =	simm.s32 $0x3;
	[dreg:$0x13] =	wrdreg s20  }
0x2d: {  	_ =	swait.ge [sflag:s3], $0x8000  }
0x2e: {  	s23 =	rddreg [dreg:$0x4]  }
0x2f: {  	s5 =	simm.s32 $0x4000;
	s24 =	rddreg [dreg:$0x5];
	[sflag:s3] =	ssyncset.done $0x0  }
0x30: {  	s4 =	simm.s32 $0x8000;
	s25 =	rddreg [dreg:$0x7];
	[sflag:s3] =	ssyncadd.s32 $0xFFFF8000  }
0x31: {  	[tilespmem:s4], [sflag:$0x1] =	stream.indirect.gather [hbm4b:s24+s5], $0x1, s23, s5, $0xb8;
	[tilespmem:$0x10000] =	vst v63  }
0x32: {  	s7 =	simm.s32 $0xC000;
	s6 =	simm.s32 $0x1;
	s26 =	rddreg [dreg:$0x6]  }
0x33: {  	[tilespmem:s7], [sflag:$0x2] =	stream.indirect.gather [hbm4b:s25+s5], $0x1, s26, s5, $0xb8;
	[tilespmem:$0x10000] =	vst v63  }
0x34: {  	_ =	swait.ge [sflag:s6], $0x4000  }
0x35: {  	[sflag:s6] =	ssyncset.done $0x0  }
0x36: {  	s10 =	rddreg [dreg:$0x8];
	[sflag:s6] =	ssyncadd.s32 $0xFFFFC000  }
0x37: {  	[hbm4b:s10+s2] =	stream.linear.scatter [tilespmem:s4], [sflag:$0x3], $0x4000, $0x38;
	[tilespmem:$0x10000] =	vst v63  }
0x38: {  	_ =	swait.ge [sflag:s3], $0x4000  }
0x39: {  	s12 =	rddreg [dreg:$0x9];
	[sflag:s3] =	ssyncset.done $0x0  }
0x3a: {  	s8 =	simm.s32 $0x2;
	s13 =	rddreg [dreg:$0xa];
	[sflag:s3] =	ssyncadd.s32 $0xFFFFC000  }
0x3b: {  	[tilespmem:s4], [sflag:$0x1] =	stream.indirect.gather [hbm4b:s13+s5], $0x1, s12, s5, $0xb8;
	[tilespmem:$0x10000] =	vst v63  }
0x3c: {  	_ =	swait.ge [sflag:s8], $0x4000  }
0x3d: {  	s19 =	smov.u32 s0;
	[sflag:s8] =	ssyncset.done $0x0  }
0x3e: {  	s1 =	sshll.u32 s1, $0xB;
	s14 =	rddreg [dreg:$0xb];
	[sflag:s8] =	ssyncadd.s32 $0xFFFFC000  }
0x3f: {  	[hbm4b:s14+s2] =	stream.linear.scatter [tilespmem:s7], [sflag:$0x3], $0x4000, $0x38;
	[tilespmem:$0x10000] =	vst v63  }
0x40: {  	s11 =	sshll.u32 s11, $0xF;
	s1 =	sadd.s32 s16, s1;
	_ =	swait.ge [sflag:s3], $0x4000  }
0x41: {  	s23 =	sadd.s32 $0x6, s29;
	s15 =	rddreg [dreg:$0xc];
	[sflag:s3] =	ssyncset.done $0x0  }
0x42: {  	s14 =	sshrl.u32 s23, $0x4;
	s17 =	rddreg [dreg:$0xd];
	[sflag:s3] =	ssyncadd.s32 $0xFFFFC000  }
0x43: {  	[tilespmem:s7], [sflag:$0x2] =	stream.indirect.gather [hbm4b:s17+s5], $0x1, s15, s5, $0xb8;
	[tilespmem:$0x10000] =	vst v63  }
0x44: {  	s25 =	smul.u32 $0x186A80, s14;
	s26 =	ssub.s32 s14, s0;
	_ =	swait.ge [sflag:s6], $0x4000  }
0x45: {  	s10 =	sshll.u32 s26, $0x10;
	s15 =	sand.u32 $0xF, s23;
	[sflag:s6] =	ssyncset.done $0x0  }
0x46: {  	s13 =	smul.u32 $0x186A8, s15;
	s18 =	rddreg [dreg:$0xe];
	[sflag:s6] =	ssyncadd.s32 $0xFFFFC000  }
0x47: {  	[hbm4b:s18+s2] =	stream.linear.scatter [tilespmem:s4], [sflag:$0x3], $0x4000, $0x38;
	[tilespmem:$0x10000] =	vst v63  }
0x48: {  	s26 =	sshll.u32 s14, $0xF;
	s10 =	sshra.s32 s10, $0x2;
	_ =	swait.ge [sflag:s3], $0x4000  }
0x49: {  	s9 =	sadd.s32 s13, s25;
	s20 =	rddreg [dreg:$0xf];
	[sflag:s3] =	ssyncset.done $0x0  }
0x4a: {  	s18 =	sadd.s32 $0x7, s29;
	s21 =	rddreg [dreg:$0x10];
	[sflag:s3] =	ssyncadd.s32 $0xFFFFC000  }
0x4b: {  	[tilespmem:s4], [sflag:$0x1] =	stream.indirect.gather [hbm4b:s21+s5], $0x1, s20, s5, $0xb8;
	[tilespmem:$0x10000] =	vst v63  }
0x4c: {  	s13 =	sshrl.u32 s9, $0x3;
	s17 =	sshrl.u32 s18, $0x4;
	_ =	swait.ge [sflag:s8], $0x4000  }
0x4d: {  	s18 =	sand.u32 $0xF, s18;
	s20 =	smul.u32 $0x186A80, s17;
	[sflag:s8] =	ssyncset.done $0x0  }
0x4e: {  	s21 =	smul.u32 $0x186A8, s18;
	s22 =	rddreg [dreg:$0x11];
	[sflag:s8] =	ssyncadd.s32 $0xFFFFC000  }
0x4f: {  	[hbm4b:s22+s2] =	stream.linear.scatter [tilespmem:s7], [sflag:$0x3], $0x4000, $0x38;
	[tilespmem:$0x10000] =	vst v63  }
0x50: {  	s9 =	sadd.s32 s28, s13;
	s23 =	ssub.s32 s17, s19;
	_ =	swait.ge [sflag:s3], $0x4000  }
0x51: {  	s13 =	sadd.s32 s21, s20;
	s24 =	rddreg [dreg:$0x12];
	[sflag:s3] =	ssyncset.done $0x0  }
0x52: {  	s25 =	sshrl.u32 s13, $0x3;
	s12 =	rddreg [dreg:$0x13];
	[sflag:s3] =	ssyncadd.s32 $0xFFFFC000  }
0x53: {  	[tilespmem:s7], [sflag:$0x2] =	stream.indirect.gather [hbm4b:s12+s5], $0x1, s24, s5, $0xb8;
	[tilespmem:$0x10000] =	vst v63  }
0x54: {  	s22 =	sadd.s32 s11, s1;
	s1 =	sshll.u32 s23, $0x10;
	_ =	swait.ge [sflag:s6], $0x4000  }
0x55: {  	s13 =	sadd.s32 s28, s25;
	s11 =	sadd.s32 $0x8, s29;
	[sflag:s6] =	ssyncset.done $0x0  }
0x56: {  	s25 =	sshll.u32 s17, $0xF;
	s0 =	rddreg [dreg:$0x14];
	[sflag:s6] =	ssyncadd.s32 $0xFFFFC000  }
0x57: {  	[hbm4b:s0+s2] =	stream.linear.scatter [tilespmem:s4], [sflag:$0x3], $0x4000, $0x38;
	[tilespmem:$0x10000] =	vst v63  }
0x58: {  	s20 =	sshrl.u32 s11, $0x4;
	s24 =	sshra.s32 s1, $0x2;
	_ =	swait.ge [sflag:s3], $0x4000  }
0x59: {  	s21 =	smul.u32 $0x186A80, s20;
	s12 =	smov.u32 s24;
	[sflag:s3] =	ssyncset.done $0x0  }
0x5a: {  	s0 =	sadd.s32 $0x9, s29;
	[dreg:$0x15] =	wrdreg s10;
	[sflag:s3] =	ssyncadd.s32 $0xFFFFC000  }
0x5b: {  	[tilespmem:s4], [sflag:$0x1] =	stream.indirect.gather [hbm4b:s9+s5], $0x1, s10, s5, $0xb8;
	[tilespmem:$0x10000] =	vst v63  }
0x5c: {  	[dreg:$0x16] =	wrdreg s9;
	s30 =	sand.u32 $0xF, s0;
	s10 =	sshll.u32 s15, $0xB  }
0x5d: {  	s9 =	smov.u32 s16;
	_ =	swait.ge [sflag:s8], $0x4000;
	s14 =	sadd.s32 s16, s10  }
0x5e: {  	[sflag:s8] =	ssyncset.done $0x0;
	s14 =	sadd.s32 s26, s14;
	s26 =	sshll.u32 s18, $0xB  }
0x5f: {  	[dreg:$0x17] =	wrdreg s22;
	[sflag:s8] =	ssyncadd.s32 $0xFFFFC000;
	s17 =	sadd.s32 s9, s26  }
0x60: {  	[hbm4b:s22+s2] =	stream.linear.scatter [tilespmem:s7], [sflag:$0x3], $0x4000, $0x38;
	[tilespmem:$0x10000] =	vst v63  }
0x61: {  	s26 =	sadd.s32 $0xA, s29;
	s22 =	sand.u32 $0xF, s11;
	_ =	swait.ge [sflag:s3], $0x4000  }
0x62: {  	s17 =	sadd.s32 s25, s17;
	s11 =	smul.u32 $0x186A8, s30;
	[sflag:s3] =	ssyncset.done $0x0  }
0x63: {  	s23 =	smul.u32 $0x186A8, s22;
	s25 =	sshll.u32 s22, $0xB;
	[sflag:s3] =	ssyncadd.s32 $0xFFFFC000  }
0x64: {  	[tilespmem:s7], [sflag:$0x2] =	stream.indirect.gather [hbm4b:s13+s5], $0x1, s24, s5, $0xb8;
	[tilespmem:$0x10000] =	vst v63  }
0x65: {  	s1 =	sadd.s32 s23, s21;
	s23 =	sshll.u32 s20, $0xF;
	s24 =	ssub.s32 s20, s19  }
0x66: {  	s1 =	sshrl.u32 s1, $0x3;
	s20 =	sadd.s32 s9, s25;
	_ =	swait.ge [sflag:s6], $0x4000  }
0x67: {  	s25 =	sshrl.u32 s26, $0x4;
	s15 =	sshll.u32 s24, $0x10;
	[sflag:s6] =	ssyncset.done $0x0  }
0x68: {  	s16 =	sadd.s32 s28, s1;
	s24 =	sshrl.u32 s0, $0x4;
	[sflag:s6] =	ssyncadd.s32 $0xFFFFC000  }
0x69: {  	[hbm4b:s14+s2] =	stream.linear.scatter [tilespmem:s4], [sflag:$0x3], $0x4000, $0x38;
	[tilespmem:$0x10000] =	vst v63  }
0x6a: {  	s0 =	smul.u32 $0x186A80, s25;
	s20 =	sadd.s32 s23, s20;
	_ =	swait.ge [sflag:s3], $0x4000  }
0x6b: {  	s15 =	sshra.s32 s15, $0x2;
	s10 =	smul.u32 $0x186A80, s24;
	[sflag:s3] =	ssyncset.done $0x0  }
0x6c: {  	s21 =	ssub.s32 s24, s19;
	s24 =	sshll.u32 s24, $0xF;
	[sflag:s3] =	ssyncadd.s32 $0xFFFFC000  }
0x6d: {  	[tilespmem:s4], [sflag:$0x1] =	stream.indirect.gather [hbm4b:s16+s5], $0x1, s15, s5, $0xb8;
	[tilespmem:$0x10000] =	vst v63  }
0x6e: {  	s18 =	sshll.u32 s21, $0x10;
	s1 =	sadd.s32 s11, s10;
	_ =	swait.ge [sflag:s8], $0x4000  }
0x6f: {  	s10 =	smov.u32 s19;
	s18 =	sshra.s32 s18, $0x2;
	[sflag:s8] =	ssyncset.done $0x0  }
0x70: {  	s11 =	sand.u32 $0xF, s26;
	s26 =	sshll.u32 s30, $0xB;
	[sflag:s8] =	ssyncadd.s32 $0xFFFFC000  }
0x71: {  	[hbm4b:s17+s2] =	stream.linear.scatter [tilespmem:s7], [sflag:$0x3], $0x4000, $0x38;
	[tilespmem:$0x10000] =	vst v63  }
0x72: {  	s1 =	sshrl.u32 s1, $0x3;
	s21 =	smul.u32 $0x186A8, s11;
	_ =	swait.ge [sflag:s3], $0x4000  }
0x73: {  	s23 =	ssub.s32 s25, s10;
	s25 =	sshll.u32 s25, $0xF;
	[sflag:s3] =	ssyncset.done $0x0  }
0x74: {  	s19 =	sadd.s32 s28, s1;
	s22 =	sshll.u32 s23, $0x10;
	[sflag:s3] =	ssyncadd.s32 $0xFFFFC000  }
0x75: {  	[tilespmem:s7], [sflag:$0x2] =	stream.indirect.gather [hbm4b:s19+s5], $0x1, s18, s5, $0xb8;
	[tilespmem:$0x10000] =	vst v63  }
0x76: {  	s1 =	sadd.s32 s21, s0;
	s22 =	sshra.s32 s22, $0x2;
	_ =	swait.ge [sflag:s6], $0x4000  }
0x77: {  	s0 =	sadd.s32 $0xB, s29;
	s1 =	sshrl.u32 s1, $0x3;
	[sflag:s6] =	ssyncset.done $0x0  }
0x78: {  	s23 =	sadd.s32 s28, s1;
	s1 =	sadd.s32 s9, s26;
	[sflag:s6] =	ssyncadd.s32 $0xFFFFC000  }
0x79: {  	[hbm4b:s20+s2] =	stream.linear.scatter [tilespmem:s4], [sflag:$0x3], $0x4000, $0x38;
	[tilespmem:$0x10000] =	vst v63  }
0x7a: {  	s26 =	sshrl.u32 s0, $0x4;
	s24 =	sadd.s32 s24, s1;
	_ =	swait.ge [sflag:s3], $0x4000  }
0x7b: {  	s1 =	sand.u32 $0xF, s0;
	s30 =	smul.u32 $0x186A80, s26;
	[sflag:s3] =	ssyncset.done $0x0  }
0x7c: {  	s21 =	ssub.s32 s26, s10;
	s31 =	smul.u32 $0x186A8, s1;
	[sflag:s3] =	ssyncadd.s32 $0xFFFFC000  }
0x7d: {  	[tilespmem:s4], [sflag:$0x1] =	stream.indirect.gather [hbm4b:s23+s5], $0x1, s22, s5, $0xb8;
	[tilespmem:$0x10000] =	vst v63  }
0x7e: {  	s0 =	sshll.u32 s21, $0x10;
	s21 =	sadd.s32 $0xC, s29;
	_ =	swait.ge [sflag:s8], $0x4000  }
0x7f: {  	s29 =	sshll.u32 s11, $0xB;
	s31 =	sadd.s32 s31, s30;
	[sflag:s8] =	ssyncset.done $0x0  }
0x80: {  	s30 =	sshra.s32 s0, $0x2;
	[dreg:$0x19] =	wrdreg s1;
	[sflag:s8] =	ssyncadd.s32 $0xFFFFC000  }
0x81: {  	[hbm4b:s24+s2] =	stream.linear.scatter [tilespmem:s7], [sflag:$0x3], $0x4000, $0x38;
	[tilespmem:$0x10000] =	vst v63  }
0x82: {  	s0 =	sand.u32 $0xF, s21;
	s1 =	sshrl.u32 s31, $0x3;
	_ =	swait.ge [sflag:s3], $0x4000  }
0x83: {  	s31 =	sadd.s32 s28, s1;
	s1 =	sshrl.u32 s21, $0x4;
	[sflag:s3] =	ssyncset.done $0x0  }
0x84: {  	s21 =	smul.u32 $0x186A80, s1;
	[dreg:$0x1a] =	wrdreg s0;
	[sflag:s3] =	ssyncadd.s32 $0xFFFFC000  }
0x85: {  	[tilespmem:s7], [sflag:$0x2] =	stream.indirect.gather [hbm4b:s31+s5], $0x1, s30, s5, $0xb8;
	[tilespmem:$0x10000] =	vst v63  }
0x86: {  	s29 =	sadd.s32 s9, s29;
	s0 =	smul.u32 $0x186A8, s0;
	_ =	swait.ge [sflag:s6], $0x4000  }
0x87: {  	s29 =	sadd.s32 s25, s29;
	[sflag:s6] =	ssyncset.done $0x0  }
0x88: {  	s11 =	ssub.s32 s1, s10;
	s0 =	sadd.s32 s0, s21;
	[sflag:s6] =	ssyncadd.s32 $0xFFFFC000  }
0x89: {  	[hbm4b:s29+s2] =	stream.linear.scatter [tilespmem:s4], [sflag:$0x3], $0x4000, $0x38;
	[tilespmem:$0x10000] =	vst v63  }
0x8a: {  	s21 =	sshll.u32 s11, $0x10;
	s0 =	sshrl.u32 s0, $0x3;
	_ =	swait.ge [sflag:s3], $0x4000  }
0x8b: {  	s21 =	sshra.s32 s21, $0x2;
	[sflag:s3] =	ssyncset.done $0x0;
	s10 =	rddreg [dreg:$0x18]  }
0x8c: {  	s25 =	sadd.s32 s28, s0;
	s0 =	ssub.s32 $0x2, s10;
	[sflag:s3] =	ssyncadd.s32 $0xFFFFC000  }
0x8d: {  	[tilespmem:s4], [sflag:$0x1] =	stream.indirect.gather [hbm4b:s25+s5], $0x1, s21, s5, $0xb8;
	[tilespmem:$0x10000] =	vst v63  }
0x8e: {  	s11 =	rddreg [dreg:$0x19];
	s28 =	sshrl.u32 s0, $0x1  }
0x8f: {  	s26 =	sshll.u32 s26, $0xF;
	s0 =	ssub.s32 s0, s28;
	s28 =	sshll.u32 s11, $0xB  }
0x90: {  	_ =	swait.ge [sflag:s8], $0x4000;
	s28 =	sadd.s32 s9, s28;
	s0 =	smax.u32 s0, $0x1  }
0x91: {  	[sflag:s8] =	ssyncset.done $0x0;
	s11 =	rddreg [dreg:$0x1a];
	p0 =	sne.s32 s0, $0x1  }
.Ltmp0:
0x92: {  	s26 =	sadd.s32 s26, s28;
	[sflag:s8] =	ssyncadd.s32 $0xFFFFC000;
	(pc) =	sbr.rel @!p0 .LBB2_2-.Ltmp0, $4  }
0x93: {  	[hbm4b:s26+s2] =	stream.linear.scatter [tilespmem:s7], [sflag:$0x3], $0x4000, $0x38;
	[tilespmem:$0x10000] =	vst v63  }
0x94: {  	s28 =	sshll.u32 s11, $0xB;
	_ =	swait.ge [sflag:s3], $0x4000  }
0x95: {  	s1 =	sshll.u32 s1, $0xF;
	s28 =	sadd.s32 s9, s28;
	[sflag:s3] =	ssyncset.done $0x0  }
0x96: {  	s28 =	sadd.s32 s1, s28;
	s1 =	sadd.s32 $0xFFFFFFFF, s0;
	[sflag:s3] =	ssyncadd.s32 $0xFFFFC000  }
.LBB2_1:
0x97: {  	_ =	swait.ge [sflag:s6], $0x4000  }
0x98: {  	[sflag:s6] =	ssyncset.done $0x0  }
0x99: {  	[sflag:s6] =	ssyncadd.s32 $0xFFFFC000  }
0x9a: {  	[hbm4b:s28+s2] =	stream.linear.scatter [tilespmem:s4], [sflag:$0x3], $0x4000, $0x38;
	[tilespmem:$0x10000] =	vst v63  }
0x9b: {  	_ =	swait.ge [sflag:s3], $0x4000  }
0x9c: {  	[sflag:s3] =	ssyncset.done $0x0  }
0x9d: {  	s0 =	rddreg [dreg:$0x3];
	[sflag:s3] =	ssyncadd.s32 $0xFFFFC000  }
0x9e: {  	[tilespmem:s2], [sflag:$0x3] =	stream.linear.gather [hbm4b:s0+s2], $0x8000, $0x38;
	[tilespmem:$0x10000] =	vst v63  }
0x9f: {  	_ =	swait.ge [sflag:s3], $0x8000  }
0xa0: {  	s0 =	rddreg [dreg:$0x4]  }
0xa1: {  	[sflag:s3] =	ssyncset.done $0x0;
	s9 =	rddreg [dreg:$0x5]  }
0xa2: {  	s10 =	rddreg [dreg:$0x7];
	[sflag:s3] =	ssyncadd.s32 $0xFFFF8000  }
0xa3: {  	[tilespmem:s4], [sflag:$0x1] =	stream.indirect.gather [hbm4b:s9+s5], $0x1, s0, s5, $0xb8;
	[tilespmem:$0x10000] =	vst v63  }
0xa4: {  	s11 =	rddreg [dreg:$0x6]  }
0xa5: {  	[tilespmem:s7], [sflag:$0x2] =	stream.indirect.gather [hbm4b:s10+s5], $0x1, s11, s5, $0xb8;
	[tilespmem:$0x10000] =	vst v63  }
0xa6: {  	_ =	swait.ge [sflag:s6], $0x4000  }
0xa7: {  	[sflag:s6] =	ssyncset.done $0x0  }
0xa8: {  	s11 =	rddreg [dreg:$0x8];
	[sflag:s6] =	ssyncadd.s32 $0xFFFFC000  }
0xa9: {  	[hbm4b:s11+s2] =	stream.linear.scatter [tilespmem:s4], [sflag:$0x3], $0x4000, $0x38;
	[tilespmem:$0x10000] =	vst v63  }
0xaa: {  	_ =	swait.ge [sflag:s3], $0x4000  }
0xab: {  	s9 =	rddreg [dreg:$0x9];
	[sflag:s3] =	ssyncset.done $0x0  }
0xac: {  	s10 =	rddreg [dreg:$0xa];
	[sflag:s3] =	ssyncadd.s32 $0xFFFFC000  }
0xad: {  	[tilespmem:s4], [sflag:$0x1] =	stream.indirect.gather [hbm4b:s10+s5], $0x1, s9, s5, $0xb8;
	[tilespmem:$0x10000] =	vst v63  }
0xae: {  	_ =	swait.ge [sflag:s8], $0x4000  }
0xaf: {  	[sflag:s8] =	ssyncset.done $0x0  }
0xb0: {  	s11 =	rddreg [dreg:$0xb];
	[sflag:s8] =	ssyncadd.s32 $0xFFFFC000  }
0xb1: {  	[hbm4b:s11+s2] =	stream.linear.scatter [tilespmem:s7], [sflag:$0x3], $0x4000, $0x38;
	[tilespmem:$0x10000] =	vst v63  }
0xb2: {  	_ =	swait.ge [sflag:s3], $0x4000  }
0xb3: {  	s9 =	rddreg [dreg:$0xc];
	[sflag:s3] =	ssyncset.done $0x0  }
0xb4: {  	s10 =	rddreg [dreg:$0xd];
	[sflag:s3] =	ssyncadd.s32 $0xFFFFC000  }
0xb5: {  	[tilespmem:s7], [sflag:$0x2] =	stream.indirect.gather [hbm4b:s10+s5], $0x1, s9, s5, $0xb8;
	[tilespmem:$0x10000] =	vst v63  }
0xb6: {  	_ =	swait.ge [sflag:s6], $0x4000  }
0xb7: {  	[sflag:s6] =	ssyncset.done $0x0  }
0xb8: {  	s11 =	rddreg [dreg:$0xe];
	[sflag:s6] =	ssyncadd.s32 $0xFFFFC000  }
0xb9: {  	[hbm4b:s11+s2] =	stream.linear.scatter [tilespmem:s4], [sflag:$0x3], $0x4000, $0x38;
	[tilespmem:$0x10000] =	vst v63  }
0xba: {  	_ =	swait.ge [sflag:s3], $0x4000  }
0xbb: {  	s9 =	rddreg [dreg:$0xf];
	[sflag:s3] =	ssyncset.done $0x0  }
0xbc: {  	s10 =	rddreg [dreg:$0x10];
	[sflag:s3] =	ssyncadd.s32 $0xFFFFC000  }
0xbd: {  	[tilespmem:s4], [sflag:$0x1] =	stream.indirect.gather [hbm4b:s10+s5], $0x1, s9, s5, $0xb8;
	[tilespmem:$0x10000] =	vst v63  }
0xbe: {  	_ =	swait.ge [sflag:s8], $0x4000  }
0xbf: {  	[sflag:s8] =	ssyncset.done $0x0  }
0xc0: {  	s11 =	rddreg [dreg:$0x11];
	[sflag:s8] =	ssyncadd.s32 $0xFFFFC000  }
0xc1: {  	[hbm4b:s11+s2] =	stream.linear.scatter [tilespmem:s7], [sflag:$0x3], $0x4000, $0x38;
	[tilespmem:$0x10000] =	vst v63  }
0xc2: {  	_ =	swait.ge [sflag:s3], $0x4000  }
0xc3: {  	s9 =	rddreg [dreg:$0x12];
	[sflag:s3] =	ssyncset.done $0x0  }
0xc4: {  	s10 =	rddreg [dreg:$0x13];
	[sflag:s3] =	ssyncadd.s32 $0xFFFFC000  }
0xc5: {  	[tilespmem:s7], [sflag:$0x2] =	stream.indirect.gather [hbm4b:s10+s5], $0x1, s9, s5, $0xb8;
	[tilespmem:$0x10000] =	vst v63  }
0xc6: {  	_ =	swait.ge [sflag:s6], $0x4000  }
0xc7: {  	[sflag:s6] =	ssyncset.done $0x0  }
0xc8: {  	s11 =	rddreg [dreg:$0x14];
	[sflag:s6] =	ssyncadd.s32 $0xFFFFC000  }
0xc9: {  	[hbm4b:s11+s2] =	stream.linear.scatter [tilespmem:s4], [sflag:$0x3], $0x4000, $0x38;
	[tilespmem:$0x10000] =	vst v63  }
0xca: {  	_ =	swait.ge [sflag:s3], $0x4000  }
0xcb: {  	[sflag:s3] =	ssyncset.done $0x0;
	s9 =	rddreg [dreg:$0x15]  }
0xcc: {  	s10 =	rddreg [dreg:$0x16];
	[sflag:s3] =	ssyncadd.s32 $0xFFFFC000  }
0xcd: {  	[tilespmem:s4], [sflag:$0x1] =	stream.indirect.gather [hbm4b:s10+s5], $0x1, s9, s5, $0xb8;
	[tilespmem:$0x10000] =	vst v63  }
0xce: {  	_ =	swait.ge [sflag:s8], $0x4000  }
0xcf: {  	[sflag:s8] =	ssyncset.done $0x0  }
0xd0: {  	s11 =	rddreg [dreg:$0x17];
	[sflag:s8] =	ssyncadd.s32 $0xFFFFC000  }
0xd1: {  	[hbm4b:s11+s2] =	stream.linear.scatter [tilespmem:s7], [sflag:$0x3], $0x4000, $0x38;
	[tilespmem:$0x10000] =	vst v63  }
0xd2: {  	_ =	swait.ge [sflag:s3], $0x4000  }
0xd3: {  	[sflag:s3] =	ssyncset.done $0x0  }
0xd4: {  	[sflag:s3] =	ssyncadd.s32 $0xFFFFC000  }
0xd5: {  	[tilespmem:s7], [sflag:$0x2] =	stream.indirect.gather [hbm4b:s13+s5], $0x1, s12, s5, $0xb8;
	[tilespmem:$0x10000] =	vst v63  }
0xd6: {  	_ =	swait.ge [sflag:s6], $0x4000  }
0xd7: {  	[sflag:s6] =	ssyncset.done $0x0  }
0xd8: {  	[sflag:s6] =	ssyncadd.s32 $0xFFFFC000  }
0xd9: {  	[hbm4b:s14+s2] =	stream.linear.scatter [tilespmem:s4], [sflag:$0x3], $0x4000, $0x38;
	[tilespmem:$0x10000] =	vst v63  }
0xda: {  	_ =	swait.ge [sflag:s3], $0x4000  }
0xdb: {  	[sflag:s3] =	ssyncset.done $0x0  }
0xdc: {  	[sflag:s3] =	ssyncadd.s32 $0xFFFFC000  }
0xdd: {  	[tilespmem:s4], [sflag:$0x1] =	stream.indirect.gather [hbm4b:s16+s5], $0x1, s15, s5, $0xb8;
	[tilespmem:$0x10000] =	vst v63  }
0xde: {  	_ =	swait.ge [sflag:s8], $0x4000  }
0xdf: {  	[sflag:s8] =	ssyncset.done $0x0  }
0xe0: {  	[sflag:s8] =	ssyncadd.s32 $0xFFFFC000  }
0xe1: {  	[hbm4b:s17+s2] =	stream.linear.scatter [tilespmem:s7], [sflag:$0x3], $0x4000, $0x38;
	[tilespmem:$0x10000] =	vst v63  }
0xe2: {  	_ =	swait.ge [sflag:s3], $0x4000  }
0xe3: {  	[sflag:s3] =	ssyncset.done $0x0  }
0xe4: {  	[sflag:s3] =	ssyncadd.s32 $0xFFFFC000  }
0xe5: {  	[tilespmem:s7], [sflag:$0x2] =	stream.indirect.gather [hbm4b:s19+s5], $0x1, s18, s5, $0xb8;
	[tilespmem:$0x10000] =	vst v63  }
0xe6: {  	_ =	swait.ge [sflag:s6], $0x4000  }
0xe7: {  	[sflag:s6] =	ssyncset.done $0x0  }
0xe8: {  	[sflag:s6] =	ssyncadd.s32 $0xFFFFC000  }
0xe9: {  	[hbm4b:s20+s2] =	stream.linear.scatter [tilespmem:s4], [sflag:$0x3], $0x4000, $0x38;
	[tilespmem:$0x10000] =	vst v63  }
0xea: {  	_ =	swait.ge [sflag:s3], $0x4000  }
0xeb: {  	[sflag:s3] =	ssyncset.done $0x0  }
0xec: {  	[sflag:s3] =	ssyncadd.s32 $0xFFFFC000  }
0xed: {  	[tilespmem:s4], [sflag:$0x1] =	stream.indirect.gather [hbm4b:s23+s5], $0x1, s22, s5, $0xb8;
	[tilespmem:$0x10000] =	vst v63  }
0xee: {  	_ =	swait.ge [sflag:s8], $0x4000  }
0xef: {  	[sflag:s8] =	ssyncset.done $0x0  }
0xf0: {  	[sflag:s8] =	ssyncadd.s32 $0xFFFFC000  }
0xf1: {  	[hbm4b:s24+s2] =	stream.linear.scatter [tilespmem:s7], [sflag:$0x3], $0x4000, $0x38;
	[tilespmem:$0x10000] =	vst v63  }
0xf2: {  	_ =	swait.ge [sflag:s3], $0x4000  }
0xf3: {  	[sflag:s3] =	ssyncset.done $0x0  }
0xf4: {  	[sflag:s3] =	ssyncadd.s32 $0xFFFFC000  }
0xf5: {  	[tilespmem:s7], [sflag:$0x2] =	stream.indirect.gather [hbm4b:s31+s5], $0x1, s30, s5, $0xb8;
	[tilespmem:$0x10000] =	vst v63  }
0xf6: {  	_ =	swait.ge [sflag:s6], $0x4000  }
0xf7: {  	[sflag:s6] =	ssyncset.done $0x0  }
0xf8: {  	[sflag:s6] =	ssyncadd.s32 $0xFFFFC000  }
0xf9: {  	[hbm4b:s29+s2] =	stream.linear.scatter [tilespmem:s4], [sflag:$0x3], $0x4000, $0x38;
	[tilespmem:$0x10000] =	vst v63  }
0xfa: {  	_ =	swait.ge [sflag:s3], $0x4000  }
0xfb: {  	[sflag:s3] =	ssyncset.done $0x0  }
0xfc: {  	[sflag:s3] =	ssyncadd.s32 $0xFFFFC000  }
0xfd: {  	[tilespmem:s4], [sflag:$0x1] =	stream.indirect.gather [hbm4b:s25+s5], $0x1, s21, s5, $0xb8;
	[tilespmem:$0x10000] =	vst v63  }
0xfe: {  	_ =	swait.ge [sflag:s8], $0x4000  }
0xff: {  	p0 =	sne.s32 s1, $0x1;
	[sflag:s8] =	ssyncset.done $0x0  }
.Ltmp1:
0x100: {  	[sflag:s8] =	ssyncadd.s32 $0xFFFFC000;
	(pc) =	sbr.rel @p0 .LBB2_1-.Ltmp1, $4  }
0x101: {  	[hbm4b:s26+s2] =	stream.linear.scatter [tilespmem:s7], [sflag:$0x3], $0x4000, $0x38;
	[tilespmem:$0x10000] =	vst v63  }
0x102: {  	_ =	swait.ge [sflag:s3], $0x4000  }
0x103: {  	[sflag:s3] =	ssyncset.done $0x0  }
0x104: {  	s1 =	sadd.s32 $0xFFFFFFFF, s1;
	[sflag:s3] =	ssyncadd.s32 $0xFFFFC000  }
.LBB2_2:
0x105: {  	_ =	swait.ge [sflag:s6], $0x4000  }
0x106: {  	[sflag:s6] =	ssyncset.done $0x0  }
0x107: {  	[sflag:s6] =	ssyncadd.s32 $0xFFFFC000  }
0x108: {  	[hbm4b:s28+s2] =	stream.linear.scatter [tilespmem:s4], [sflag:$0x3], $0x4000, $0x38;
	[tilespmem:$0x10000] =	vst v63  }
0x109: {  	_ =	swait.ge [sflag:s3], $0x4000  }
0x10a: {  	[sflag:s3] =	ssyncset.done $0x0  }
0x10b: {  	[sflag:s3] =	ssyncadd.s32 $0xFFFFC000  }
0x10c: {  	_ =	sfence.sel $0x180000  }
0x10d: {  	[bflag:$0x0] =	sbarrier.arrive $0xFFFF  }
0x10e: {  	_ =	strace $0x90000047  }
0x10f: {  	s0 =	stileid.u32;
	[bflag:$0x2] =	sbarrier.arrive $0xFFFF  }
0x110: {  	p0 =	sne.s32 s0, $0x0;
	s0 =	rddreg [dreg:$0x2]  }
0x111: {  	s0 =	sadd.s32 @!p0 $0x100000, s0  }
0x112: {  	[sflag:s0] =	ssyncadd.tile.s32 @!p0 $0x1;
	_ =	shalt  }
.Lfunc_end2:
_tile_overlayer_lowered:
.L_overlay_start_2:
0x113: {  	(tag) =	ssettag $0x2  }
0x114: {  	s0 =	rddreg [dreg:$0x0];
	s2 =	stileid.u32  }
0x115: {  	s1 =	rddreg [dreg:$0x1];
	p0 =	sne.s32 s2, $0x0  }
0x116: {  	s3 =	rddreg [dreg:$0x2];
	[bflag:$0x3] =	sbarrier.arrive $0xFFFF;
	s2 =	simm.s32 @!p0 $0x1C03  }
0x117: {  	[timem:s3], [sflag:s2] =	dma.local @!p0 [hbm:s0], s1  }
0x118: {  	s0 =	simm.s32 @!p0 $0x3  }
0x119: {  	_ =	swait.ge @!p0 [sflag:s0], s1  }
0x11a: {  	s1 =	ssub.s32 @!p0 $0x0, s1;
	[sflag:s0] =	ssyncset.done @!p0 $0x0  }
0x11b: {  	[sflag:s0] =	ssyncadd.s32 @!p0 s1  }
0x11c: {  	[bflag:$0x3] =	sbarrier.arrive $0xFFFF  }
0x11d: {  	_ =	shalt  }

</sc_bundles>
